<compile_context>
chip_gen: v7x
topology: tpu7x:2x2x1
jax: 0.10.2.dev20260603
libtpu: 0.0.44.dev20260713+nightly
codegen_flags: <defaults>
</compile_context>

<pallas_src>
import functools

import jax
import jax.numpy as jnp
from jax import lax
from jax.experimental import pallas as pl
from jax.experimental.pallas import tpu as pltpu
from jax.experimental.pallas import tpu_sc as plsc


def _sc_lookup(aidx, cidx, table, atom_subrows):
    N = aidx.shape[0]
    info = plsc.get_sparse_core_info()
    NW = info.num_cores * info.num_subcores
    PW = N // NW
    CP = 512
    PS = 32
    NST = CP // PS
    NCH = PW // CP

    mesh = plsc.VectorSubcoreMesh(core_axis_name="c", subcore_axis_name="s")

    @functools.partial(
        pl.kernel,
        out_type=jax.ShapeDtypeStruct((N * 3, 32), jnp.float32),
        mesh=mesh,
        scratch_types=[
            pltpu.VMEM((CP,), jnp.int32),
            pltpu.VMEM((CP,), jnp.int32),
            pltpu.VMEM((CP * 3,), jnp.int32),
            pltpu.VMEM((CP * 3, 32), jnp.float32),
            pltpu.SemaphoreType.DMA,
        ],
        compiler_params=pltpu.CompilerParams(
            needs_layout_passes=False, use_tc_tiling_on_sc=False),
    )
    def k(aidx_hbm, cidx_hbm, table_hbm, out_hbm, aidx_v, cidx_v, idx3_v,
          rows_v, sem):
        wid = lax.axis_index("s") * info.num_cores + lax.axis_index("c")
        base = wid * PW
        t16 = lax.broadcasted_iota(jnp.int32, (16,), 0)

        def chunk_body(i, carry):
            pbase = base + i * CP
            pltpu.sync_copy(aidx_hbm.at[pl.ds(pbase, CP)], aidx_v)
            pltpu.sync_copy(cidx_hbm.at[pl.ds(pbase, CP)], cidx_v)
            for t in range(CP // 16):
                o = t * 16
                a16 = aidx_v[pl.ds(o, 16)]
                c16 = cidx_v[pl.ds(o, 16)]
                col = o * 3 + 3 * t16
                plsc.store_scatter(idx3_v, [col], a16 * 2)
                plsc.store_scatter(idx3_v, [col + 1], a16 * 2 + 1)
                plsc.store_scatter(idx3_v, [col + 2], c16 + atom_subrows)
            copies = []
            for g in range(NST):
                copies.append(pltpu.async_copy(
                    table_hbm.at[idx3_v.at[pl.ds(g * PS * 3, PS * 3)]],
                    rows_v.at[pl.ds(g * PS * 3, PS * 3)],
                    sem,
                ))
            for cp in copies:
                cp.wait()
            pltpu.sync_copy(rows_v, out_hbm.at[pl.ds(pbase * 3, CP * 3)])
            return carry

        lax.fori_loop(0, NCH, chunk_body, 0)

    return k(aidx, cidx, table)


def kernel(atom_types, chemistry_types, emb_table, chem_table):
    B, L = atom_types.shape
    D1 = emb_table.shape[1]
    D2 = chem_table.shape[1]
    a = atom_types.reshape(-1).astype(jnp.int32)
    c = chemistry_types.reshape(-1).astype(jnp.int32)
    sub = emb_table.reshape(-1, D2)
    table = jnp.concatenate([sub, chem_table], axis=0)
    out = _sc_lookup(a, c, table, sub.shape[0])
    return out.reshape(B, L, D1 + D2)

# --- scband reference (transcript-rebuilt; emitter-appended) ---
"""Pipeline reference for scband-atom-embedding-23931557773664 (READ-ONLY COPY).

The authoritative reference and input builder live on the scoring server;
editing this copy changes nothing except your own understanding.
"""

import jax, jax.numpy as jnp
import numpy as np

NUM_ATOM_TYPES = 1000
NUM_ATOM_TYPES_CHEM = 1000
EMB_DIM = 64
EMB_DIM_CHEM = 32
B, L = 4096, 200

def setup_inputs(seed: int = 0) -> dict:
    key = jax.random.key(seed)
    k1, k2, k3, k4 = jax.random.split(key, 4)
    atom_types = jax.random.randint(k1, (B, L), 0, NUM_ATOM_TYPES, dtype=jnp.int64 if jax.config.jax_enable_x64 else jnp.int32)
    chemistry_types = jax.random.randint(k2, (B, L), 0, NUM_ATOM_TYPES_CHEM, dtype=jnp.int64 if jax.config.jax_enable_x64 else jnp.int32)
    emb_table = jax.random.normal(k3, (NUM_ATOM_TYPES, EMB_DIM), dtype=jnp.float32)
    chem_table = jax.random.normal(k4, (NUM_ATOM_TYPES_CHEM, EMB_DIM_CHEM), dtype=jnp.float32)
    return {"atom_types": atom_types, "chemistry_types": chemistry_types, "emb_table": emb_table, "chem_table": chem_table}

def reference(atom_types, chemistry_types, emb_table, chem_table):
    # nn.Embedding lookup on both tables, concatenated along the feature dim
    atom_emb = jnp.take(emb_table, atom_types, axis=0)          # [B, L, EMB_DIM]
    chem_emb = jnp.take(chem_table, chemistry_types, axis=0)    # [B, L, EMB_DIM_CHEM]
    return jnp.concatenate([atom_emb, chem_emb], axis=-1)        # [B, L, EMB_DIM + EMB_DIM_CHEM]

if __name__ == "__main__":
    import jax
    _d = setup_inputs()
    print(jax.jit(kernel)(*tuple(_d.values())))

</pallas_src>

<mosaic_0001>
#map = affine_map<(d0, d1) -> (0)>
#map1 = affine_map<(d0, d1) -> (0, 0)>
module attributes {stable_mosaic.version = 14 : i64} {
  func.func @k(%arg0: i32, %arg1: i32, %arg2: memref<819200xi32, #tpu.memory_space<hbm>>, %arg3: memref<819200xi32, #tpu.memory_space<hbm>>, %arg4: memref<3000x32xf32, #tpu.memory_space<hbm>>, %arg5: memref<2457600x32xf32, #tpu.memory_space<hbm>>, %arg6: memref<512xi32, #tpu.memory_space<vmem>>, %arg7: memref<512xi32, #tpu.memory_space<vmem>>, %arg8: memref<1536xi32, #tpu.memory_space<vmem>>, %arg9: memref<1536x32xf32, #tpu.memory_space<vmem>>, %arg10: memref<!tpu.dma_semaphore, #tpu.memory_space<semaphore_mem>>) attributes {dimension_semantics = [#tpu.dimension_semantics<core_parallel>, #tpu.dimension_semantics<subcore_parallel>], iteration_bounds = array<i64: 2, 16>, scalar_prefetch = 0 : i64, scratch_operands = 5 : i64, tpu.core_type = #tpu.core_type<sc_vector_subcore>, window_params = [{transform_indices = #map}, {transform_indices = #map}, {transform_indices = #map1}, {transform_indices = #map1}]} {
    %mul3A = arith.constant 2 : i32
    %mul3A_0 = arith.muli %arg1, %mul3A : i32
    %add3A = arith.addi %mul3A_0, %arg0 : i32
    %mul3A_1 = arith.constant 25600 : i32
    %mul3A_2 = arith.muli %add3A, %mul3A_1 : i32
    %iota3A = tpu.iota {dimensions = array<i32: 0>} : vector<16xi32>
    %scan3A = arith.constant 0 : i32
    %scan3A_3 = arith.constant 0 : i32
    %scan3A_4 = arith.constant 50 : i32
    %scan3A_5 = arith.addi %scan3A_3, %scan3A_4 : i32
    %scan3A_6 = arith.constant 1 : i32
    scf.for %scan3A_8 = %scan3A_3 to %scan3A_5 step %scan3A_6  : i32 {
      %mul3A_9 = arith.constant 512 : i32
      %mul3A_10 = arith.muli %scan3A_8, %mul3A_9 : i32
      %add3A_11 = arith.addi %mul3A_2, %mul3A_10 : i32
      "tpu.region"() ({
        %run_scoped3A = tpu.sem_alloc : memref<!tpu.dma_semaphore, #tpu.memory_space<semaphore_mem>>
        %dma_start3A_1163 = tpu.memref_slice %arg2[%add3A_11] : memref<819200xi32, #tpu.memory_space<hbm>> -> memref<512xi32, #tpu.memory_space<hbm>>
        %dma_start3A_1164 = tpu.memref_slice %arg2[%add3A_11] : memref<819200xi32, #tpu.memory_space<hbm>> -> memref<512xi32, #tpu.memory_space<hbm>>
        tpu.enqueue_dma source(%dma_start3A_1164 : memref<512xi32, #tpu.memory_space<hbm>>) target(%arg6 : memref<512xi32, #tpu.memory_space<vmem>>) target_semaphore(%run_scoped3A : memref<!tpu.dma_semaphore, #tpu.memory_space<semaphore_mem>>)
        %dma_wait3A_1165 = tpu.memref_slice %arg2[%add3A_11] : memref<819200xi32, #tpu.memory_space<hbm>> -> memref<512xi32, #tpu.memory_space<hbm>>
        %dma_wait3A_1166 = tpu.memref_slice %arg2[%add3A_11] : memref<819200xi32, #tpu.memory_space<hbm>> -> memref<512xi32, #tpu.memory_space<hbm>>
        tpu.wait_dma2 semaphore(%run_scoped3A : memref<!tpu.dma_semaphore, #tpu.memory_space<semaphore_mem>>) src(%dma_wait3A_1166 : memref<512xi32, #tpu.memory_space<hbm>>) dst(%arg6 : memref<512xi32, #tpu.memory_space<vmem>>)
        tpu.yield
      }) : () -> ()
      "tpu.region"() ({
        %run_scoped3A = tpu.sem_alloc : memref<!tpu.dma_semaphore, #tpu.memory_space<semaphore_mem>>
        %dma_start3A_1163 = tpu.memref_slice %arg3[%add3A_11] : memref<819200xi32, #tpu.memory_space<hbm>> -> memref<512xi32, #tpu.memory_space<hbm>>
        %dma_start3A_1164 = tpu.memref_slice %arg3[%add3A_11] : memref<819200xi32, #tpu.memory_space<hbm>> -> memref<512xi32, #tpu.memory_space<hbm>>
        tpu.enqueue_dma source(%dma_start3A_1164 : memref<512xi32, #tpu.memory_space<hbm>>) target(%arg7 : memref<512xi32, #tpu.memory_space<vmem>>) target_semaphore(%run_scoped3A : memref<!tpu.dma_semaphore, #tpu.memory_space<semaphore_mem>>)
        %dma_wait3A_1165 = tpu.memref_slice %arg3[%add3A_11] : memref<819200xi32, #tpu.memory_space<hbm>> -> memref<512xi32, #tpu.memory_space<hbm>>
        %dma_wait3A_1166 = tpu.memref_slice %arg3[%add3A_11] : memref<819200xi32, #tpu.memory_space<hbm>> -> memref<512xi32, #tpu.memory_space<hbm>>
        tpu.wait_dma2 semaphore(%run_scoped3A : memref<!tpu.dma_semaphore, #tpu.memory_space<semaphore_mem>>) src(%dma_wait3A_1166 : memref<512xi32, #tpu.memory_space<hbm>>) dst(%arg7 : memref<512xi32, #tpu.memory_space<vmem>>)
        tpu.yield
      }) : () -> ()
      %get3A = arith.constant 0 : index
      %get3A_12 = tpu.vector_load %arg6[%get3A] {strides = array<i32>} : memref<512xi32, #tpu.memory_space<vmem>>, vector<16xi32>,
      %get3A_13 = arith.constant 0 : index
      %get3A_14 = tpu.vector_load %arg7[%get3A_13] {strides = array<i32>} : memref<512xi32, #tpu.memory_space<vmem>>, vector<16xi32>,
      %mul3A_15 = arith.constant 3 : i32
      %mul3A_16 = vector.broadcast %mul3A_15 : i32 to vector<16xi32>
      %mul3A_17 = arith.muli %mul3A_16, %iota3A : vector<16xi32>
      %add3A_18 = arith.constant 0 : i32
      %add3A_19 = vector.broadcast %add3A_18 : i32 to vector<16xi32>
      %add3A_20 = arith.addi %add3A_19, %mul3A_17 : vector<16xi32>
      %mul3A_21 = arith.constant 2 : i32
      %mul3A_22 = vector.broadcast %mul3A_21 : i32 to vector<16xi32>
      %mul3A_23 = arith.muli %get3A_12, %mul3A_22 : vector<16xi32>
      tpu.vector_store_idx %arg8[%add3A_20], %mul3A_23 : memref<1536xi32, #tpu.memory_space<vmem>>[vector<16xi32>], vector<16xi32>,
      %add3A_24 = arith.constant 1 : i32
      %add3A_25 = vector.broadcast %add3A_24 : i32 to vector<16xi32>
      %add3A_26 = arith.addi %add3A_20, %add3A_25 : vector<16xi32>
      %mul3A_27 = arith.constant 2 : i32
      %mul3A_28 = vector.broadcast %mul3A_27 : i32 to vector<16xi32>
      %mul3A_29 = arith.muli %get3A_12, %mul3A_28 : vector<16xi32>
      %add3A_30 = arith.constant 1 : i32
      %add3A_31 = vector.broadcast %add3A_30 : i32 to vector<16xi32>
      %add3A_32 = arith.addi %mul3A_29, %add3A_31 : vector<16xi32>
      tpu.vector_store_idx %arg8[%add3A_26], %add3A_32 : memref<1536xi32, #tpu.memory_space<vmem>>[vector<16xi32>], vector<16xi32>,
      %add3A_33 = arith.constant 2 : i32
      %add3A_34 = vector.broadcast %add3A_33 : i32 to vector<16xi32>
      %add3A_35 = arith.addi %add3A_20, %add3A_34 : vector<16xi32>
      %add3A_36 = arith.constant 2000 : i32
      %add3A_37 = vector.broadcast %add3A_36 : i32 to vector<16xi32>
      %add3A_38 = arith.addi %get3A_14, %add3A_37 : vector<16xi32>
      tpu.vector_store_idx %arg8[%add3A_35], %add3A_38 : memref<1536xi32, #tpu.memory_space<vmem>>[vector<16xi32>], vector<16xi32>,
      %get3A_39 = arith.constant 16 : index
      %get3A_40 = tpu.vector_load %arg6[%get3A_39] {strides = array<i32>} : memref<512xi32, #tpu.memory_space<vmem>>, vector<16xi32>,
      %get3A_41 = arith.constant 16 : index
      %get3A_42 = tpu.vector_load %arg7[%get3A_41] {strides = array<i32>} : memref<512xi32, #tpu.memory_space<vmem>>, vector<16xi32>,
      %mul3A_43 = arith.constant 3 : i32
      %mul3A_44 = vector.broadcast %mul3A_43 : i32 to vector<16xi32>
      %mul3A_45 = arith.muli %mul3A_44, %iota3A : vector<16xi32>
      %add3A_46 = arith.constant 48 : i32
      %add3A_47 = vector.broadcast %add3A_46 : i32 to vector<16xi32>
      %add3A_48 = arith.addi %add3A_47, %mul3A_45 : vector<16xi32>
      %mul3A_49 = arith.constant 2 : i32
      %mul3A_50 = vector.broadcast %mul3A_49 : i32 to vector<16xi32>
      %mul3A_51 = arith.muli %get3A_40, %mul3A_50 : vector<16xi32>
      tpu.vector_store_idx %arg8[%add3A_48], %mul3A_51 : memref<1536xi32, #tpu.memory_space<vmem>>[vector<16xi32>], vector<16xi32>,
      %add3A_52 = arith.constant 1 : i32
      %add3A_53 = vector.broadcast %add3A_52 : i32 to vector<16xi32>
      %add3A_54 = arith.addi %add3A_48, %add3A_53 : vector<16xi32>
      %mul3A_55 = arith.constant 2 : i32
      %mul3A_56 = vector.broadcast %mul3A_55 : i32 to vector<16xi32>
      %mul3A_57 = arith.muli %get3A_40, %mul3A_56 : vector<16xi32>
      %add3A_58 = arith.constant 1 : i32
      %add3A_59 = vector.broadcast %add3A_58 : i32 to vector<16xi32>
      %add3A_60 = arith.addi %mul3A_57, %add3A_59 : vector<16xi32>
      tpu.vector_store_idx %arg8[%add3A_54], %add3A_60 : memref<1536xi32, #tpu.memory_space<vmem>>[vector<16xi32>], vector<16xi32>,
      %add3A_61 = arith.constant 2 : i32
      %add3A_62 = vector.broadcast %add3A_61 : i32 to vector<16xi32>
      %add3A_63 = arith.addi %add3A_48, %add3A_62 : vector<16xi32>
      %add3A_64 = arith.constant 2000 : i32
      %add3A_65 = vector.broadcast %add3A_64 : i32 to vector<16xi32>
      %add3A_66 = arith.addi %get3A_42, %add3A_65 : vector<16xi32>
      tpu.vector_store_idx %arg8[%add3A_63], %add3A_66 : memref<1536xi32, #tpu.memory_space<vmem>>[vector<16xi32>], vector<16xi32>,
      %get3A_67 = arith.constant 32 : index
      %get3A_68 = tpu.vector_load %arg6[%get3A_67] {strides = array<i32>} : memref<512xi32, #tpu.memory_space<vmem>>, vector<16xi32>,
      %get3A_69 = arith.constant 32 : index
      %get3A_70 = tpu.vector_load %arg7[%get3A_69] {strides = array<i32>} : memref<512xi32, #tpu.memory_space<vmem>>, vector<16xi32>,
      %mul3A_71 = arith.constant 3 : i32
      %mul3A_72 = vector.broadcast %mul3A_71 : i32 to vector<16xi32>
      %mul3A_73 = arith.muli %mul3A_72, %iota3A : vector<16xi32>
      %add3A_74 = arith.constant 96 : i32
      %add3A_75 = vector.broadcast %add3A_74 : i32 to vector<16xi32>
      %add3A_76 = arith.addi %add3A_75, %mul3A_73 : vector<16xi32>
      %mul3A_77 = arith.constant 2 : i32
      %mul3A_78 = vector.broadcast %mul3A_77 : i32 to vector<16xi32>
      %mul3A_79 = arith.muli %get3A_68, %mul3A_78 : vector<16xi32>
      tpu.vector_store_idx %arg8[%add3A_76], %mul3A_79 : memref<1536xi32, #tpu.memory_space<vmem>>[vector<16xi32>], vector<16xi32>,
      %add3A_80 = arith.constant 1 : i32
      %add3A_81 = vector.broadcast %add3A_80 : i32 to vector<16xi32>
      %add3A_82 = arith.addi %add3A_76, %add3A_81 : vector<16xi32>
      %mul3A_83 = arith.constant 2 : i32
      %mul3A_84 = vector.broadcast %mul3A_83 : i32 to vector<16xi32>
      %mul3A_85 = arith.muli %get3A_68, %mul3A_84 : vector<16xi32>
      %add3A_86 = arith.constant 1 : i32
      %add3A_87 = vector.broadcast %add3A_86 : i32 to vector<16xi32>
      %add3A_88 = arith.addi %mul3A_85, %add3A_87 : vector<16xi32>
      tpu.vector_store_idx %arg8[%add3A_82], %add3A_88 : memref<1536xi32, #tpu.memory_space<vmem>>[vector<16xi32>], vector<16xi32>,
      %add3A_89 = arith.constant 2 : i32
      %add3A_90 = vector.broadcast %add3A_89 : i32 to vector<16xi32>
      %add3A_91 = arith.addi %add3A_76, %add3A_90 : vector<16xi32>
      %add3A_92 = arith.constant 2000 : i32
      %add3A_93 = vector.broadcast %add3A_92 : i32 to vector<16xi32>
      %add3A_94 = arith.addi %get3A_70, %add3A_93 : vector<16xi32>
      tpu.vector_store_idx %arg8[%add3A_91], %add3A_94 : memref<1536xi32, #tpu.memory_space<vmem>>[vector<16xi32>], vector<16xi32>,
      %get3A_95 = arith.constant 48 : index
      %get3A_96 = tpu.vector_load %arg6[%get3A_95] {strides = array<i32>} : memref<512xi32, #tpu.memory_space<vmem>>, vector<16xi32>,
      %get3A_97 = arith.constant 48 : index
      %get3A_98 = tpu.vector_load %arg7[%get3A_97] {strides = array<i32>} : memref<512xi32, #tpu.memory_space<vmem>>, vector<16xi32>,
      %mul3A_99 = arith.constant 3 : i32
      %mul3A_100 = vector.broadcast %mul3A_99 : i32 to vector<16xi32>
      %mul3A_101 = arith.muli %mul3A_100, %iota3A : vector<16xi32>
      %add3A_102 = arith.constant 144 : i32
      %add3A_103 = vector.broadcast %add3A_102 : i32 to vector<16xi32>
      %add3A_104 = arith.addi %add3A_103, %mul3A_101 : vector<16xi32>
      %mul3A_105 = arith.constant 2 : i32
      %mul3A_106 = vector.broadcast %mul3A_105 : i32 to vector<16xi32>
      %mul3A_107 = arith.muli %get3A_96, %mul3A_106 : vector<16xi32>
      tpu.vector_store_idx %arg8[%add3A_104], %mul3A_107 : memref<1536xi32, #tpu.memory_space<vmem>>[vector<16xi32>], vector<16xi32>,
      %add3A_108 = arith.constant 1 : i32
      %add3A_109 = vector.broadcast %add3A_108 : i32 to vector<16xi32>
      %add3A_110 = arith.addi %add3A_104, %add3A_109 : vector<16xi32>
      %mul3A_111 = arith.constant 2 : i32
      %mul3A_112 = vector.broadcast %mul3A_111 : i32 to vector<16xi32>
      %mul3A_113 = arith.muli %get3A_96, %mul3A_112 : vector<16xi32>
      %add3A_114 = arith.constant 1 : i32
      %add3A_115 = vector.broadcast %add3A_114 : i32 to vector<16xi32>
      %add3A_116 = arith.addi %mul3A_113, %add3A_115 : vector<16xi32>
      tpu.vector_store_idx %arg8[%add3A_110], %add3A_116 : memref<1536xi32, #tpu.memory_space<vmem>>[vector<16xi32>], vector<16xi32>,
      %add3A_117 = arith.constant 2 : i32
      %add3A_118 = vector.broadcast %add3A_117 : i32 to vector<16xi32>
      %add3A_119 = arith.addi %add3A_104, %add3A_118 : vector<16xi32>
      %add3A_120 = arith.constant 2000 : i32
      %add3A_121 = vector.broadcast %add3A_120 : i32 to vector<16xi32>
      %add3A_122 = arith.addi %get3A_98, %add3A_121 : vector<16xi32>
      tpu.vector_store_idx %arg8[%add3A_119], %add3A_122 : memref<1536xi32, #tpu.memory_space<vmem>>[vector<16xi32>], vector<16xi32>,
      %get3A_123 = arith.constant 64 : index
      %get3A_124 = tpu.vector_load %arg6[%get3A_123] {strides = array<i32>} : memref<512xi32, #tpu.memory_space<vmem>>, vector<16xi32>,
      %get3A_125 = arith.constant 64 : index
      %get3A_126 = tpu.vector_load %arg7[%get3A_125] {strides = array<i32>} : memref<512xi32, #tpu.memory_space<vmem>>, vector<16xi32>,
      %mul3A_127 = arith.constant 3 : i32
      %mul3A_128 = vector.broadcast %mul3A_127 : i32 to vector<16xi32>
      %mul3A_129 = arith.muli %mul3A_128, %iota3A : vector<16xi32>
      %add3A_130 = arith.constant 192 : i32
      %add3A_131 = vector.broadcast %add3A_130 : i32 to vector<16xi32>
      %add3A_132 = arith.addi %add3A_131, %mul3A_129 : vector<16xi32>
      %mul3A_133 = arith.constant 2 : i32
      %mul3A_134 = vector.broadcast %mul3A_133 : i32 to vector<16xi32>
      %mul3A_135 = arith.muli %get3A_124, %mul3A_134 : vector<16xi32>
      tpu.vector_store_idx %arg8[%add3A_132], %mul3A_135 : memref<1536xi32, #tpu.memory_space<vmem>>[vector<16xi32>], vector<16xi32>,
      %add3A_136 = arith.constant 1 : i32
      %add3A_137 = vector.broadcast %add3A_136 : i32 to vector<16xi32>
      %add3A_138 = arith.addi %add3A_132, %add3A_137 : vector<16xi32>
      %mul3A_139 = arith.constant 2 : i32
      %mul3A_140 = vector.broadcast %mul3A_139 : i32 to vector<16xi32>
      %mul3A_141 = arith.muli %get3A_124, %mul3A_140 : vector<16xi32>
      %add3A_142 = arith.constant 1 : i32
      %add3A_143 = vector.broadcast %add3A_142 : i32 to vector<16xi32>
      %add3A_144 = arith.addi %mul3A_141, %add3A_143 : vector<16xi32>
      tpu.vector_store_idx %arg8[%add3A_138], %add3A_144 : memref<1536xi32, #tpu.memory_space<vmem>>[vector<16xi32>], vector<16xi32>,
      %add3A_145 = arith.constant 2 : i32
      %add3A_146 = vector.broadcast %add3A_145 : i32 to vector<16xi32>
      %add3A_147 = arith.addi %add3A_132, %add3A_146 : vector<16xi32>
      %add3A_148 = arith.constant 2000 : i32
      %add3A_149 = vector.broadcast %add3A_148 : i32 to vector<16xi32>
      %add3A_150 = arith.addi %get3A_126, %add3A_149 : vector<16xi32>
      tpu.vector_store_idx %arg8[%add3A_147], %add3A_150 : memref<1536xi32, #tpu.memory_space<vmem>>[vector<16xi32>], vector<16xi32>,
      %get3A_151 = arith.constant 80 : index
      %get3A_152 = tpu.vector_load %arg6[%get3A_151] {strides = array<i32>} : memref<512xi32, #tpu.memory_space<vmem>>, vector<16xi32>,
      %get3A_153 = arith.constant 80 : index
      %get3A_154 = tpu.vector_load %arg7[%get3A_153] {strides = array<i32>} : memref<512xi32, #tpu.memory_space<vmem>>, vector<16xi32>,
      %mul3A_155 = arith.constant 3 : i32
      %mul3A_156 = vector.broadcast %mul3A_155 : i32 to vector<16xi32>
      %mul3A_157 = arith.muli %mul3A_156, %iota3A : vector<16xi32>
      %add3A_158 = arith.constant 240 : i32
      %add3A_159 = vector.broadcast %add3A_158 : i32 to vector<16xi32>
      %add3A_160 = arith.addi %add3A_159, %mul3A_157 : vector<16xi32>
      %mul3A_161 = arith.constant 2 : i32
      %mul3A_162 = vector.broadcast %mul3A_161 : i32 to vector<16xi32>
      %mul3A_163 = arith.muli %get3A_152, %mul3A_162 : vector<16xi32>
      tpu.vector_store_idx %arg8[%add3A_160], %mul3A_163 : memref<1536xi32, #tpu.memory_space<vmem>>[vector<16xi32>], vector<16xi32>,
      %add3A_164 = arith.constant 1 : i32
      %add3A_165 = vector.broadcast %add3A_164 : i32 to vector<16xi32>
      %add3A_166 = arith.addi %add3A_160, %add3A_165 : vector<16xi32>
      %mul3A_167 = arith.constant 2 : i32
      %mul3A_168 = vector.broadcast %mul3A_167 : i32 to vector<16xi32>
      %mul3A_169 = arith.muli %get3A_152, %mul3A_168 : vector<16xi32>
      %add3A_170 = arith.constant 1 : i32
      %add3A_171 = vector.broadcast %add3A_170 : i32 to vector<16xi32>
      %add3A_172 = arith.addi %mul3A_169, %add3A_171 : vector<16xi32>
      tpu.vector_store_idx %arg8[%add3A_166], %add3A_172 : memref<1536xi32, #tpu.memory_space<vmem>>[vector<16xi32>], vector<16xi32>,
      %add3A_173 = arith.constant 2 : i32
      %add3A_174 = vector.broadcast %add3A_173 : i32 to vector<16xi32>
      %add3A_175 = arith.addi %add3A_160, %add3A_174 : vector<16xi32>
      %add3A_176 = arith.constant 2000 : i32
      %add3A_177 = vector.broadcast %add3A_176 : i32 to vector<16xi32>
      %add3A_178 = arith.addi %get3A_154, %add3A_177 : vector<16xi32>
      tpu.vector_store_idx %arg8[%add3A_175], %add3A_178 : memref<1536xi32, #tpu.memory_space<vmem>>[vector<16xi32>], vector<16xi32>,
      %get3A_179 = arith.constant 96 : index
      %get3A_180 = tpu.vector_load %arg6[%get3A_179] {strides = array<i32>} : memref<512xi32, #tpu.memory_space<vmem>>, vector<16xi32>,
      %get3A_181 = arith.constant 96 : index
      %get3A_182 = tpu.vector_load %arg7[%get3A_181] {strides = array<i32>} : memref<512xi32, #tpu.memory_space<vmem>>, vector<16xi32>,
      %mul3A_183 = arith.constant 3 : i32
      %mul3A_184 = vector.broadcast %mul3A_183 : i32 to vector<16xi32>
      %mul3A_185 = arith.muli %mul3A_184, %iota3A : vector<16xi32>
      %add3A_186 = arith.constant 288 : i32
      %add3A_187 = vector.broadcast %add3A_186 : i32 to vector<16xi32>
      %add3A_188 = arith.addi %add3A_187, %mul3A_185 : vector<16xi32>
      %mul3A_189 = arith.constant 2 : i32
      %mul3A_190 = vector.broadcast %mul3A_189 : i32 to vector<16xi32>
      %mul3A_191 = arith.muli %get3A_180, %mul3A_190 : vector<16xi32>
      tpu.vector_store_idx %arg8[%add3A_188], %mul3A_191 : memref<1536xi32, #tpu.memory_space<vmem>>[vector<16xi32>], vector<16xi32>,
      %add3A_192 = arith.constant 1 : i32
      %add3A_193 = vector.broadcast %add3A_192 : i32 to vector<16xi32>
      %add3A_194 = arith.addi %add3A_188, %add3A_193 : vector<16xi32>
      %mul3A_195 = arith.constant 2 : i32
      %mul3A_196 = vector.broadcast %mul3A_195 : i32 to vector<16xi32>
      %mul3A_197 = arith.muli %get3A_180, %mul3A_196 : vector<16xi32>
      %add3A_198 = arith.constant 1 : i32
      %add3A_199 = vector.broadcast %add3A_198 : i32 to vector<16xi32>
      %add3A_200 = arith.addi %mul3A_197, %add3A_199 : vector<16xi32>
      tpu.vector_store_idx %arg8[%add3A_194], %add3A_200 : memref<1536xi32, #tpu.memory_space<vmem>>[vector<16xi32>], vector<16xi32>,
      %add3A_201 = arith.constant 2 : i32
      %add3A_202 = vector.broadcast %add3A_201 : i32 to vector<16xi32>
      %add3A_203 = arith.addi %add3A_188, %add3A_202 : vector<16xi32>
      %add3A_204 = arith.constant 2000 : i32
      %add3A_205 = vector.broadcast %add3A_204 : i32 to vector<16xi32>
      %add3A_206 = arith.addi %get3A_182, %add3A_205 : vector<16xi32>
      tpu.vector_store_idx %arg8[%add3A_203], %add3A_206 : memref<1536xi32, #tpu.memory_space<vmem>>[vector<16xi32>], vector<16xi32>,
      %get3A_207 = arith.constant 112 : index
      %get3A_208 = tpu.vector_load %arg6[%get3A_207] {strides = array<i32>} : memref<512xi32, #tpu.memory_space<vmem>>, vector<16xi32>,
      %get3A_209 = arith.constant 112 : index
      %get3A_210 = tpu.vector_load %arg7[%get3A_209] {strides = array<i32>} : memref<512xi32, #tpu.memory_space<vmem>>, vector<16xi32>,
      %mul3A_211 = arith.constant 3 : i32
      %mul3A_212 = vector.broadcast %mul3A_211 : i32 to vector<16xi32>
      %mul3A_213 = arith.muli %mul3A_212, %iota3A : vector<16xi32>
      %add3A_214 = arith.constant 336 : i32
      %add3A_215 = vector.broadcast %add3A_214 : i32 to vector<16xi32>
      %add3A_216 = arith.addi %add3A_215, %mul3A_213 : vector<16xi32>
      %mul3A_217 = arith.constant 2 : i32
      %mul3A_218 = vector.broadcast %mul3A_217 : i32 to vector<16xi32>
      %mul3A_219 = arith.muli %get3A_208, %mul3A_218 : vector<16xi32>
      tpu.vector_store_idx %arg8[%add3A_216], %mul3A_219 : memref<1536xi32, #tpu.memory_space<vmem>>[vector<16xi32>], vector<16xi32>,
      %add3A_220 = arith.constant 1 : i32
      %add3A_221 = vector.broadcast %add3A_220 : i32 to vector<16xi32>
      %add3A_222 = arith.addi %add3A_216, %add3A_221 : vector<16xi32>
      %mul3A_223 = arith.constant 2 : i32
      %mul3A_224 = vector.broadcast %mul3A_223 : i32 to vector<16xi32>
      %mul3A_225 = arith.muli %get3A_208, %mul3A_224 : vector<16xi32>
      %add3A_226 = arith.constant 1 : i32
      %add3A_227 = vector.broadcast %add3A_226 : i32 to vector<16xi32>
      %add3A_228 = arith.addi %mul3A_225, %add3A_227 : vector<16xi32>
      tpu.vector_store_idx %arg8[%add3A_222], %add3A_228 : memref<1536xi32, #tpu.memory_space<vmem>>[vector<16xi32>], vector<16xi32>,
      %add3A_229 = arith.constant 2 : i32
      %add3A_230 = vector.broadcast %add3A_229 : i32 to vector<16xi32>
      %add3A_231 = arith.addi %add3A_216, %add3A_230 : vector<16xi32>
      %add3A_232 = arith.constant 2000 : i32
      %add3A_233 = vector.broadcast %add3A_232 : i32 to vector<16xi32>
      %add3A_234 = arith.addi %get3A_210, %add3A_233 : vector<16xi32>
      tpu.vector_store_idx %arg8[%add3A_231], %add3A_234 : memref<1536xi32, #tpu.memory_space<vmem>>[vector<16xi32>], vector<16xi32>,
      %get3A_235 = arith.constant 128 : index
      %get3A_236 = tpu.vector_load %arg6[%get3A_235] {strides = array<i32>} : memref<512xi32, #tpu.memory_space<vmem>>, vector<16xi32>,
      %get3A_237 = arith.constant 128 : index
      %get3A_238 = tpu.vector_load %arg7[%get3A_237] {strides = array<i32>} : memref<512xi32, #tpu.memory_space<vmem>>, vector<16xi32>,
      %mul3A_239 = arith.constant 3 : i32
      %mul3A_240 = vector.broadcast %mul3A_239 : i32 to vector<16xi32>
      %mul3A_241 = arith.muli %mul3A_240, %iota3A : vector<16xi32>
      %add3A_242 = arith.constant 384 : i32
      %add3A_243 = vector.broadcast %add3A_242 : i32 to vector<16xi32>
      %add3A_244 = arith.addi %add3A_243, %mul3A_241 : vector<16xi32>
      %mul3A_245 = arith.constant 2 : i32
      %mul3A_246 = vector.broadcast %mul3A_245 : i32 to vector<16xi32>
      %mul3A_247 = arith.muli %get3A_236, %mul3A_246 : vector<16xi32>
      tpu.vector_store_idx %arg8[%add3A_244], %mul3A_247 : memref<1536xi32, #tpu.memory_space<vmem>>[vector<16xi32>], vector<16xi32>,
      %add3A_248 = arith.constant 1 : i32
      %add3A_249 = vector.broadcast %add3A_248 : i32 to vector<16xi32>
      %add3A_250 = arith.addi %add3A_244, %add3A_249 : vector<16xi32>
      %mul3A_251 = arith.constant 2 : i32
      %mul3A_252 = vector.broadcast %mul3A_251 : i32 to vector<16xi32>
      %mul3A_253 = arith.muli %get3A_236, %mul3A_252 : vector<16xi32>
      %add3A_254 = arith.constant 1 : i32
      %add3A_255 = vector.broadcast %add3A_254 : i32 to vector<16xi32>
      %add3A_256 = arith.addi %mul3A_253, %add3A_255 : vector<16xi32>
      tpu.vector_store_idx %arg8[%add3A_250], %add3A_256 : memref<1536xi32, #tpu.memory_space<vmem>>[vector<16xi32>], vector<16xi32>,
      %add3A_257 = arith.constant 2 : i32
      %add3A_258 = vector.broadcast %add3A_257 : i32 to vector<16xi32>
      %add3A_259 = arith.addi %add3A_244, %add3A_258 : vector<16xi32>
      %add3A_260 = arith.constant 2000 : i32
      %add3A_261 = vector.broadcast %add3A_260 : i32 to vector<16xi32>
      %add3A_262 = arith.addi %get3A_238, %add3A_261 : vector<16xi32>
      tpu.vector_store_idx %arg8[%add3A_259], %add3A_262 : memref<1536xi32, #tpu.memory_space<vmem>>[vector<16xi32>], vector<16xi32>,
      %get3A_263 = arith.constant 144 : index
      %get3A_264 = tpu.vector_load %arg6[%get3A_263] {strides = array<i32>} : memref<512xi32, #tpu.memory_space<vmem>>, vector<16xi32>,
      %get3A_265 = arith.constant 144 : index
      %get3A_266 = tpu.vector_load %arg7[%get3A_265] {strides = array<i32>} : memref<512xi32, #tpu.memory_space<vmem>>, vector<16xi32>,
      %mul3A_267 = arith.constant 3 : i32
      %mul3A_268 = vector.broadcast %mul3A_267 : i32 to vector<16xi32>
      %mul3A_269 = arith.muli %mul3A_268, %iota3A : vector<16xi32>
      %add3A_270 = arith.constant 432 : i32
      %add3A_271 = vector.broadcast %add3A_270 : i32 to vector<16xi32>
      %add3A_272 = arith.addi %add3A_271, %mul3A_269 : vector<16xi32>
      %mul3A_273 = arith.constant 2 : i32
      %mul3A_274 = vector.broadcast %mul3A_273 : i32 to vector<16xi32>
      %mul3A_275 = arith.muli %get3A_264, %mul3A_274 : vector<16xi32>
      tpu.vector_store_idx %arg8[%add3A_272], %mul3A_275 : memref<1536xi32, #tpu.memory_space<vmem>>[vector<16xi32>], vector<16xi32>,
      %add3A_276 = arith.constant 1 : i32
      %add3A_277 = vector.broadcast %add3A_276 : i32 to vector<16xi32>
      %add3A_278 = arith.addi %add3A_272, %add3A_277 : vector<16xi32>
      %mul3A_279 = arith.constant 2 : i32
      %mul3A_280 = vector.broadcast %mul3A_279 : i32 to vector<16xi32>
      %mul3A_281 = arith.muli %get3A_264, %mul3A_280 : vector<16xi32>
      %add3A_282 = arith.constant 1 : i32
      %add3A_283 = vector.broadcast %add3A_282 : i32 to vector<16xi32>
      %add3A_284 = arith.addi %mul3A_281, %add3A_283 : vector<16xi32>
      tpu.vector_store_idx %arg8[%add3A_278], %add3A_284 : memref<1536xi32, #tpu.memory_space<vmem>>[vector<16xi32>], vector<16xi32>,
      %add3A_285 = arith.constant 2 : i32
      %add3A_286 = vector.broadcast %add3A_285 : i32 to vector<16xi32>
      %add3A_287 = arith.addi %add3A_272, %add3A_286 : vector<16xi32>
      %add3A_288 = arith.constant 2000 : i32
      %add3A_289 = vector.broadcast %add3A_288 : i32 to vector<16xi32>
      %add3A_290 = arith.addi %get3A_266, %add3A_289 : vector<16xi32>
      tpu.vector_store_idx %arg8[%add3A_287], %add3A_290 : memref<1536xi32, #tpu.memory_space<vmem>>[vector<16xi32>], vector<16xi32>,
      %get3A_291 = arith.constant 160 : index
      %get3A_292 = tpu.vector_load %arg6[%get3A_291] {strides = array<i32>} : memref<512xi32, #tpu.memory_space<vmem>>, vector<16xi32>,
      %get3A_293 = arith.constant 160 : index
      %get3A_294 = tpu.vector_load %arg7[%get3A_293] {strides = array<i32>} : memref<512xi32, #tpu.memory_space<vmem>>, vector<16xi32>,
      %mul3A_295 = arith.constant 3 : i32
      %mul3A_296 = vector.broadcast %mul3A_295 : i32 to vector<16xi32>
      %mul3A_297 = arith.muli %mul3A_296, %iota3A : vector<16xi32>
      %add3A_298 = arith.constant 480 : i32
      %add3A_299 = vector.broadcast %add3A_298 : i32 to vector<16xi32>
      %add3A_300 = arith.addi %add3A_299, %mul3A_297 : vector<16xi32>
      %mul3A_301 = arith.constant 2 : i32
      %mul3A_302 = vector.broadcast %mul3A_301 : i32 to vector<16xi32>
      %mul3A_303 = arith.muli %get3A_292, %mul3A_302 : vector<16xi32>
      tpu.vector_store_idx %arg8[%add3A_300], %mul3A_303 : memref<1536xi32, #tpu.memory_space<vmem>>[vector<16xi32>], vector<16xi32>,
      %add3A_304 = arith.constant 1 : i32
      %add3A_305 = vector.broadcast %add3A_304 : i32 to vector<16xi32>
      %add3A_306 = arith.addi %add3A_300, %add3A_305 : vector<16xi32>
      %mul3A_307 = arith.constant 2 : i32
      %mul3A_308 = vector.broadcast %mul3A_307 : i32 to vector<16xi32>
      %mul3A_309 = arith.muli %get3A_292, %mul3A_308 : vector<16xi32>
      %add3A_310 = arith.constant 1 : i32
      %add3A_311 = vector.broadcast %add3A_310 : i32 to vector<16xi32>
      %add3A_312 = arith.addi %mul3A_309, %add3A_311 : vector<16xi32>
      tpu.vector_store_idx %arg8[%add3A_306], %add3A_312 : memref<1536xi32, #tpu.memory_space<vmem>>[vector<16xi32>], vector<16xi32>,
      %add3A_313 = arith.constant 2 : i32
      %add3A_314 = vector.broadcast %add3A_313 : i32 to vector<16xi32>
      %add3A_315 = arith.addi %add3A_300, %add3A_314 : vector<16xi32>
      %add3A_316 = arith.constant 2000 : i32
      %add3A_317 = vector.broadcast %add3A_316 : i32 to vector<16xi32>
      %add3A_318 = arith.addi %get3A_294, %add3A_317 : vector<16xi32>
      tpu.vector_store_idx %arg8[%add3A_315], %add3A_318 : memref<1536xi32, #tpu.memory_space<vmem>>[vector<16xi32>], vector<16xi32>,
      %get3A_319 = arith.constant 176 : index
      %get3A_320 = tpu.vector_load %arg6[%get3A_319] {strides = array<i32>} : memref<512xi32, #tpu.memory_space<vmem>>, vector<16xi32>,
      %get3A_321 = arith.constant 176 : index
      %get3A_322 = tpu.vector_load %arg7[%get3A_321] {strides = array<i32>} : memref<512xi32, #tpu.memory_space<vmem>>, vector<16xi32>,
      %mul3A_323 = arith.constant 3 : i32
      %mul3A_324 = vector.broadcast %mul3A_323 : i32 to vector<16xi32>
      %mul3A_325 = arith.muli %mul3A_324, %iota3A : vector<16xi32>
      %add3A_326 = arith.constant 528 : i32
      %add3A_327 = vector.broadcast %add3A_326 : i32 to vector<16xi32>
      %add3A_328 = arith.addi %add3A_327, %mul3A_325 : vector<16xi32>
      %mul3A_329 = arith.constant 2 : i32
      %mul3A_330 = vector.broadcast %mul3A_329 : i32 to vector<16xi32>
      %mul3A_331 = arith.muli %get3A_320, %mul3A_330 : vector<16xi32>
      tpu.vector_store_idx %arg8[%add3A_328], %mul3A_331 : memref<1536xi32, #tpu.memory_space<vmem>>[vector<16xi32>], vector<16xi32>,
      %add3A_332 = arith.constant 1 : i32
      %add3A_333 = vector.broadcast %add3A_332 : i32 to vector<16xi32>
      %add3A_334 = arith.addi %add3A_328, %add3A_333 : vector<16xi32>
      %mul3A_335 = arith.constant 2 : i32
      %mul3A_336 = vector.broadcast %mul3A_335 : i32 to vector<16xi32>
      %mul3A_337 = arith.muli %get3A_320, %mul3A_336 : vector<16xi32>
      %add3A_338 = arith.constant 1 : i32
      %add3A_339 = vector.broadcast %add3A_338 : i32 to vector<16xi32>
      %add3A_340 = arith.addi %mul3A_337, %add3A_339 : vector<16xi32>
      tpu.vector_store_idx %arg8[%add3A_334], %add3A_340 : memref<1536xi32, #tpu.memory_space<vmem>>[vector<16xi32>], vector<16xi32>,
      %add3A_341 = arith.constant 2 : i32
      %add3A_342 = vector.broadcast %add3A_341 : i32 to vector<16xi32>
      %add3A_343 = arith.addi %add3A_328, %add3A_342 : vector<16xi32>
      %add3A_344 = arith.constant 2000 : i32
      %add3A_345 = vector.broadcast %add3A_344 : i32 to vector<16xi32>
      %add3A_346 = arith.addi %get3A_322, %add3A_345 : vector<16xi32>
      tpu.vector_store_idx %arg8[%add3A_343], %add3A_346 : memref<1536xi32, #tpu.memory_space<vmem>>[vector<16xi32>], vector<16xi32>,
      %get3A_347 = arith.constant 192 : index
      %get3A_348 = tpu.vector_load %arg6[%get3A_347] {strides = array<i32>} : memref<512xi32, #tpu.memory_space<vmem>>, vector<16xi32>,
      %get3A_349 = arith.constant 192 : index
      %get3A_350 = tpu.vector_load %arg7[%get3A_349] {strides = array<i32>} : memref<512xi32, #tpu.memory_space<vmem>>, vector<16xi32>,
      %mul3A_351 = arith.constant 3 : i32
      %mul3A_352 = vector.broadcast %mul3A_351 : i32 to vector<16xi32>
      %mul3A_353 = arith.muli %mul3A_352, %iota3A : vector<16xi32>
      %add3A_354 = arith.constant 576 : i32
      %add3A_355 = vector.broadcast %add3A_354 : i32 to vector<16xi32>
      %add3A_356 = arith.addi %add3A_355, %mul3A_353 : vector<16xi32>
      %mul3A_357 = arith.constant 2 : i32
      %mul3A_358 = vector.broadcast %mul3A_357 : i32 to vector<16xi32>
      %mul3A_359 = arith.muli %get3A_348, %mul3A_358 : vector<16xi32>
      tpu.vector_store_idx %arg8[%add3A_356], %mul3A_359 : memref<1536xi32, #tpu.memory_space<vmem>>[vector<16xi32>], vector<16xi32>,
      %add3A_360 = arith.constant 1 : i32
      %add3A_361 = vector.broadcast %add3A_360 : i32 to vector<16xi32>
      %add3A_362 = arith.addi %add3A_356, %add3A_361 : vector<16xi32>
      %mul3A_363 = arith.constant 2 : i32
      %mul3A_364 = vector.broadcast %mul3A_363 : i32 to vector<16xi32>
      %mul3A_365 = arith.muli %get3A_348, %mul3A_364 : vector<16xi32>
      %add3A_366 = arith.constant 1 : i32
      %add3A_367 = vector.broadcast %add3A_366 : i32 to vector<16xi32>
      %add3A_368 = arith.addi %mul3A_365, %add3A_367 : vector<16xi32>
      tpu.vector_store_idx %arg8[%add3A_362], %add3A_368 : memref<1536xi32, #tpu.memory_space<vmem>>[vector<16xi32>], vector<16xi32>,
      %add3A_369 = arith.constant 2 : i32
      %add3A_370 = vector.broadcast %add3A_369 : i32 to vector<16xi32>
      %add3A_371 = arith.addi %add3A_356, %add3A_370 : vector<16xi32>
      %add3A_372 = arith.constant 2000 : i32
      %add3A_373 = vector.broadcast %add3A_372 : i32 to vector<16xi32>
      %add3A_374 = arith.addi %get3A_350, %add3A_373 : vector<16xi32>
      tpu.vector_store_idx %arg8[%add3A_371], %add3A_374 : memref<1536xi32, #tpu.memory_space<vmem>>[vector<16xi32>], vector<16xi32>,
      %get3A_375 = arith.constant 208 : index
      %get3A_376 = tpu.vector_load %arg6[%get3A_375] {strides = array<i32>} : memref<512xi32, #tpu.memory_space<vmem>>, vector<16xi32>,
      %get3A_377 = arith.constant 208 : index
      %get3A_378 = tpu.vector_load %arg7[%get3A_377] {strides = array<i32>} : memref<512xi32, #tpu.memory_space<vmem>>, vector<16xi32>,
      %mul3A_379 = arith.constant 3 : i32
      %mul3A_380 = vector.broadcast %mul3A_379 : i32 to vector<16xi32>
      %mul3A_381 = arith.muli %mul3A_380, %iota3A : vector<16xi32>
      %add3A_382 = arith.constant 624 : i32
      %add3A_383 = vector.broadcast %add3A_382 : i32 to vector<16xi32>
      %add3A_384 = arith.addi %add3A_383, %mul3A_381 : vector<16xi32>
      %mul3A_385 = arith.constant 2 : i32
      %mul3A_386 = vector.broadcast %mul3A_385 : i32 to vector<16xi32>
      %mul3A_387 = arith.muli %get3A_376, %mul3A_386 : vector<16xi32>
      tpu.vector_store_idx %arg8[%add3A_384], %mul3A_387 : memref<1536xi32, #tpu.memory_space<vmem>>[vector<16xi32>], vector<16xi32>,
      %add3A_388 = arith.constant 1 : i32
      %add3A_389 = vector.broadcast %add3A_388 : i32 to vector<16xi32>
      %add3A_390 = arith.addi %add3A_384, %add3A_389 : vector<16xi32>
      %mul3A_391 = arith.constant 2 : i32
      %mul3A_392 = vector.broadcast %mul3A_391 : i32 to vector<16xi32>
      %mul3A_393 = arith.muli %get3A_376, %mul3A_392 : vector<16xi32>
      %add3A_394 = arith.constant 1 : i32
      %add3A_395 = vector.broadcast %add3A_394 : i32 to vector<16xi32>
      %add3A_396 = arith.addi %mul3A_393, %add3A_395 : vector<16xi32>
      tpu.vector_store_idx %arg8[%add3A_390], %add3A_396 : memref<1536xi32, #tpu.memory_space<vmem>>[vector<16xi32>], vector<16xi32>,
      %add3A_397 = arith.constant 2 : i32
      %add3A_398 = vector.broadcast %add3A_397 : i32 to vector<16xi32>
      %add3A_399 = arith.addi %add3A_384, %add3A_398 : vector<16xi32>
      %add3A_400 = arith.constant 2000 : i32
      %add3A_401 = vector.broadcast %add3A_400 : i32 to vector<16xi32>
      %add3A_402 = arith.addi %get3A_378, %add3A_401 : vector<16xi32>
      tpu.vector_store_idx %arg8[%add3A_399], %add3A_402 : memref<1536xi32, #tpu.memory_space<vmem>>[vector<16xi32>], vector<16xi32>,
      %get3A_403 = arith.constant 224 : index
      %get3A_404 = tpu.vector_load %arg6[%get3A_403] {strides = array<i32>} : memref<512xi32, #tpu.memory_space<vmem>>, vector<16xi32>,
      %get3A_405 = arith.constant 224 : index
      %get3A_406 = tpu.vector_load %arg7[%get3A_405] {strides = array<i32>} : memref<512xi32, #tpu.memory_space<vmem>>, vector<16xi32>,
      %mul3A_407 = arith.constant 3 : i32
      %mul3A_408 = vector.broadcast %mul3A_407 : i32 to vector<16xi32>
      %mul3A_409 = arith.muli %mul3A_408, %iota3A : vector<16xi32>
      %add3A_410 = arith.constant 672 : i32
      %add3A_411 = vector.broadcast %add3A_410 : i32 to vector<16xi32>
      %add3A_412 = arith.addi %add3A_411, %mul3A_409 : vector<16xi32>
      %mul3A_413 = arith.constant 2 : i32
      %mul3A_414 = vector.broadcast %mul3A_413 : i32 to vector<16xi32>
      %mul3A_415 = arith.muli %get3A_404, %mul3A_414 : vector<16xi32>
      tpu.vector_store_idx %arg8[%add3A_412], %mul3A_415 : memref<1536xi32, #tpu.memory_space<vmem>>[vector<16xi32>], vector<16xi32>,
      %add3A_416 = arith.constant 1 : i32
      %add3A_417 = vector.broadcast %add3A_416 : i32 to vector<16xi32>
      %add3A_418 = arith.addi %add3A_412, %add3A_417 : vector<16xi32>
      %mul3A_419 = arith.constant 2 : i32
      %mul3A_420 = vector.broadcast %mul3A_419 : i32 to vector<16xi32>
      %mul3A_421 = arith.muli %get3A_404, %mul3A_420 : vector<16xi32>
      %add3A_422 = arith.constant 1 : i32
      %add3A_423 = vector.broadcast %add3A_422 : i32 to vector<16xi32>
      %add3A_424 = arith.addi %mul3A_421, %add3A_423 : vector<16xi32>
      tpu.vector_store_idx %arg8[%add3A_418], %add3A_424 : memref<1536xi32, #tpu.memory_space<vmem>>[vector<16xi32>], vector<16xi32>,
      %add3A_425 = arith.constant 2 : i32
      %add3A_426 = vector.broadcast %add3A_425 : i32 to vector<16xi32>
      %add3A_427 = arith.addi %add3A_412, %add3A_426 : vector<16xi32>
      %add3A_428 = arith.constant 2000 : i32
      %add3A_429 = vector.broadcast %add3A_428 : i32 to vector<16xi32>
      %add3A_430 = arith.addi %get3A_406, %add3A_429 : vector<16xi32>
      tpu.vector_store_idx %arg8[%add3A_427], %add3A_430 : memref<1536xi32, #tpu.memory_space<vmem>>[vector<16xi32>], vector<16xi32>,
      %get3A_431 = arith.constant 240 : index
      %get3A_432 = tpu.vector_load %arg6[%get3A_431] {strides = array<i32>} : memref<512xi32, #tpu.memory_space<vmem>>, vector<16xi32>,
      %get3A_433 = arith.constant 240 : index
      %get3A_434 = tpu.vector_load %arg7[%get3A_433] {strides = array<i32>} : memref<512xi32, #tpu.memory_space<vmem>>, vector<16xi32>,
      %mul3A_435 = arith.constant 3 : i32
      %mul3A_436 = vector.broadcast %mul3A_435 : i32 to vector<16xi32>
      %mul3A_437 = arith.muli %mul3A_436, %iota3A : vector<16xi32>
      %add3A_438 = arith.constant 720 : i32
      %add3A_439 = vector.broadcast %add3A_438 : i32 to vector<16xi32>
      %add3A_440 = arith.addi %add3A_439, %mul3A_437 : vector<16xi32>
      %mul3A_441 = arith.constant 2 : i32
      %mul3A_442 = vector.broadcast %mul3A_441 : i32 to vector<16xi32>
      %mul3A_443 = arith.muli %get3A_432, %mul3A_442 : vector<16xi32>
      tpu.vector_store_idx %arg8[%add3A_440], %mul3A_443 : memref<1536xi32, #tpu.memory_space<vmem>>[vector<16xi32>], vector<16xi32>,
      %add3A_444 = arith.constant 1 : i32
      %add3A_445 = vector.broadcast %add3A_444 : i32 to vector<16xi32>
      %add3A_446 = arith.addi %add3A_440, %add3A_445 : vector<16xi32>
      %mul3A_447 = arith.constant 2 : i32
      %mul3A_448 = vector.broadcast %mul3A_447 : i32 to vector<16xi32>
      %mul3A_449 = arith.muli %get3A_432, %mul3A_448 : vector<16xi32>
      %add3A_450 = arith.constant 1 : i32
      %add3A_451 = vector.broadcast %add3A_450 : i32 to vector<16xi32>
      %add3A_452 = arith.addi %mul3A_449, %add3A_451 : vector<16xi32>
      tpu.vector_store_idx %arg8[%add3A_446], %add3A_452 : memref<1536xi32, #tpu.memory_space<vmem>>[vector<16xi32>], vector<16xi32>,
      %add3A_453 = arith.constant 2 : i32
      %add3A_454 = vector.broadcast %add3A_453 : i32 to vector<16xi32>
      %add3A_455 = arith.addi %add3A_440, %add3A_454 : vector<16xi32>
      %add3A_456 = arith.constant 2000 : i32
      %add3A_457 = vector.broadcast %add3A_456 : i32 to vector<16xi32>
      %add3A_458 = arith.addi %get3A_434, %add3A_457 : vector<16xi32>
      tpu.vector_store_idx %arg8[%add3A_455], %add3A_458 : memref<1536xi32, #tpu.memory_space<vmem>>[vector<16xi32>], vector<16xi32>,
      %get3A_459 = arith.constant 256 : index
      %get3A_460 = tpu.vector_load %arg6[%get3A_459] {strides = array<i32>} : memref<512xi32, #tpu.memory_space<vmem>>, vector<16xi32>,
      %get3A_461 = arith.constant 256 : index
      %get3A_462 = tpu.vector_load %arg7[%get3A_461] {strides = array<i32>} : memref<512xi32, #tpu.memory_space<vmem>>, vector<16xi32>,
      %mul3A_463 = arith.constant 3 : i32
      %mul3A_464 = vector.broadcast %mul3A_463 : i32 to vector<16xi32>
      %mul3A_465 = arith.muli %mul3A_464, %iota3A : vector<16xi32>
      %add3A_466 = arith.constant 768 : i32
      %add3A_467 = vector.broadcast %add3A_466 : i32 to vector<16xi32>
      %add3A_468 = arith.addi %add3A_467, %mul3A_465 : vector<16xi32>
      %mul3A_469 = arith.constant 2 : i32
      %mul3A_470 = vector.broadcast %mul3A_469 : i32 to vector<16xi32>
      %mul3A_471 = arith.muli %get3A_460, %mul3A_470 : vector<16xi32>
      tpu.vector_store_idx %arg8[%add3A_468], %mul3A_471 : memref<1536xi32, #tpu.memory_space<vmem>>[vector<16xi32>], vector<16xi32>,
      %add3A_472 = arith.constant 1 : i32
      %add3A_473 = vector.broadcast %add3A_472 : i32 to vector<16xi32>
      %add3A_474 = arith.addi %add3A_468, %add3A_473 : vector<16xi32>
      %mul3A_475 = arith.constant 2 : i32
      %mul3A_476 = vector.broadcast %mul3A_475 : i32 to vector<16xi32>
      %mul3A_477 = arith.muli %get3A_460, %mul3A_476 : vector<16xi32>
      %add3A_478 = arith.constant 1 : i32
      %add3A_479 = vector.broadcast %add3A_478 : i32 to vector<16xi32>
      %add3A_480 = arith.addi %mul3A_477, %add3A_479 : vector<16xi32>
      tpu.vector_store_idx %arg8[%add3A_474], %add3A_480 : memref<1536xi32, #tpu.memory_space<vmem>>[vector<16xi32>], vector<16xi32>,
      %add3A_481 = arith.constant 2 : i32
      %add3A_482 = vector.broadcast %add3A_481 : i32 to vector<16xi32>
      %add3A_483 = arith.addi %add3A_468, %add3A_482 : vector<16xi32>
      %add3A_484 = arith.constant 2000 : i32
      %add3A_485 = vector.broadcast %add3A_484 : i32 to vector<16xi32>
      %add3A_486 = arith.addi %get3A_462, %add3A_485 : vector<16xi32>
      tpu.vector_store_idx %arg8[%add3A_483], %add3A_486 : memref<1536xi32, #tpu.memory_space<vmem>>[vector<16xi32>], vector<16xi32>,
      %get3A_487 = arith.constant 272 : index
      %get3A_488 = tpu.vector_load %arg6[%get3A_487] {strides = array<i32>} : memref<512xi32, #tpu.memory_space<vmem>>, vector<16xi32>,
      %get3A_489 = arith.constant 272 : index
      %get3A_490 = tpu.vector_load %arg7[%get3A_489] {strides = array<i32>} : memref<512xi32, #tpu.memory_space<vmem>>, vector<16xi32>,
      %mul3A_491 = arith.constant 3 : i32
      %mul3A_492 = vector.broadcast %mul3A_491 : i32 to vector<16xi32>
      %mul3A_493 = arith.muli %mul3A_492, %iota3A : vector<16xi32>
      %add3A_494 = arith.constant 816 : i32
      %add3A_495 = vector.broadcast %add3A_494 : i32 to vector<16xi32>
      %add3A_496 = arith.addi %add3A_495, %mul3A_493 : vector<16xi32>
      %mul3A_497 = arith.constant 2 : i32
      %mul3A_498 = vector.broadcast %mul3A_497 : i32 to vector<16xi32>
      %mul3A_499 = arith.muli %get3A_488, %mul3A_498 : vector<16xi32>
      tpu.vector_store_idx %arg8[%add3A_496], %mul3A_499 : memref<1536xi32, #tpu.memory_space<vmem>>[vector<16xi32>], vector<16xi32>,
      %add3A_500 = arith.constant 1 : i32
      %add3A_501 = vector.broadcast %add3A_500 : i32 to vector<16xi32>
      %add3A_502 = arith.addi %add3A_496, %add3A_501 : vector<16xi32>
      %mul3A_503 = arith.constant 2 : i32
      %mul3A_504 = vector.broadcast %mul3A_503 : i32 to vector<16xi32>
      %mul3A_505 = arith.muli %get3A_488, %mul3A_504 : vector<16xi32>
      %add3A_506 = arith.constant 1 : i32
      %add3A_507 = vector.broadcast %add3A_506 : i32 to vector<16xi32>
      %add3A_508 = arith.addi %mul3A_505, %add3A_507 : vector<16xi32>
      tpu.vector_store_idx %arg8[%add3A_502], %add3A_508 : memref<1536xi32, #tpu.memory_space<vmem>>[vector<16xi32>], vector<16xi32>,
      %add3A_509 = arith.constant 2 : i32
      %add3A_510 = vector.broadcast %add3A_509 : i32 to vector<16xi32>
      %add3A_511 = arith.addi %add3A_496, %add3A_510 : vector<16xi32>
      %add3A_512 = arith.constant 2000 : i32
      %add3A_513 = vector.broadcast %add3A_512 : i32 to vector<16xi32>
      %add3A_514 = arith.addi %get3A_490, %add3A_513 : vector<16xi32>
      tpu.vector_store_idx %arg8[%add3A_511], %add3A_514 : memref<1536xi32, #tpu.memory_space<vmem>>[vector<16xi32>], vector<16xi32>,
      %get3A_515 = arith.constant 288 : index
      %get3A_516 = tpu.vector_load %arg6[%get3A_515] {strides = array<i32>} : memref<512xi32, #tpu.memory_space<vmem>>, vector<16xi32>,
      %get3A_517 = arith.constant 288 : index
      %get3A_518 = tpu.vector_load %arg7[%get3A_517] {strides = array<i32>} : memref<512xi32, #tpu.memory_space<vmem>>, vector<16xi32>,
      %mul3A_519 = arith.constant 3 : i32
      %mul3A_520 = vector.broadcast %mul3A_519 : i32 to vector<16xi32>
      %mul3A_521 = arith.muli %mul3A_520, %iota3A : vector<16xi32>
      %add3A_522 = arith.constant 864 : i32
      %add3A_523 = vector.broadcast %add3A_522 : i32 to vector<16xi32>
      %add3A_524 = arith.addi %add3A_523, %mul3A_521 : vector<16xi32>
      %mul3A_525 = arith.constant 2 : i32
      %mul3A_526 = vector.broadcast %mul3A_525 : i32 to vector<16xi32>
      %mul3A_527 = arith.muli %get3A_516, %mul3A_526 : vector<16xi32>
      tpu.vector_store_idx %arg8[%add3A_524], %mul3A_527 : memref<1536xi32, #tpu.memory_space<vmem>>[vector<16xi32>], vector<16xi32>,
      %add3A_528 = arith.constant 1 : i32
      %add3A_529 = vector.broadcast %add3A_528 : i32 to vector<16xi32>
      %add3A_530 = arith.addi %add3A_524, %add3A_529 : vector<16xi32>
      %mul3A_531 = arith.constant 2 : i32
      %mul3A_532 = vector.broadcast %mul3A_531 : i32 to vector<16xi32>
      %mul3A_533 = arith.muli %get3A_516, %mul3A_532 : vector<16xi32>
      %add3A_534 = arith.constant 1 : i32
      %add3A_535 = vector.broadcast %add3A_534 : i32 to vector<16xi32>
      %add3A_536 = arith.addi %mul3A_533, %add3A_535 : vector<16xi32>
      tpu.vector_store_idx %arg8[%add3A_530], %add3A_536 : memref<1536xi32, #tpu.memory_space<vmem>>[vector<16xi32>], vector<16xi32>,
      %add3A_537 = arith.constant 2 : i32
      %add3A_538 = vector.broadcast %add3A_537 : i32 to vector<16xi32>
      %add3A_539 = arith.addi %add3A_524, %add3A_538 : vector<16xi32>
      %add3A_540 = arith.constant 2000 : i32
      %add3A_541 = vector.broadcast %add3A_540 : i32 to vector<16xi32>
      %add3A_542 = arith.addi %get3A_518, %add3A_541 : vector<16xi32>
      tpu.vector_store_idx %arg8[%add3A_539], %add3A_542 : memref<1536xi32, #tpu.memory_space<vmem>>[vector<16xi32>], vector<16xi32>,
      %get3A_543 = arith.constant 304 : index
      %get3A_544 = tpu.vector_load %arg6[%get3A_543] {strides = array<i32>} : memref<512xi32, #tpu.memory_space<vmem>>, vector<16xi32>,
      %get3A_545 = arith.constant 304 : index
      %get3A_546 = tpu.vector_load %arg7[%get3A_545] {strides = array<i32>} : memref<512xi32, #tpu.memory_space<vmem>>, vector<16xi32>,
      %mul3A_547 = arith.constant 3 : i32
      %mul3A_548 = vector.broadcast %mul3A_547 : i32 to vector<16xi32>
      %mul3A_549 = arith.muli %mul3A_548, %iota3A : vector<16xi32>
      %add3A_550 = arith.constant 912 : i32
      %add3A_551 = vector.broadcast %add3A_550 : i32 to vector<16xi32>
      %add3A_552 = arith.addi %add3A_551, %mul3A_549 : vector<16xi32>
      %mul3A_553 = arith.constant 2 : i32
      %mul3A_554 = vector.broadcast %mul3A_553 : i32 to vector<16xi32>
      %mul3A_555 = arith.muli %get3A_544, %mul3A_554 : vector<16xi32>
      tpu.vector_store_idx %arg8[%add3A_552], %mul3A_555 : memref<1536xi32, #tpu.memory_space<vmem>>[vector<16xi32>], vector<16xi32>,
      %add3A_556 = arith.constant 1 : i32
      %add3A_557 = vector.broadcast %add3A_556 : i32 to vector<16xi32>
      %add3A_558 = arith.addi %add3A_552, %add3A_557 : vector<16xi32>
      %mul3A_559 = arith.constant 2 : i32
      %mul3A_560 = vector.broadcast %mul3A_559 : i32 to vector<16xi32>
      %mul3A_561 = arith.muli %get3A_544, %mul3A_560 : vector<16xi32>
      %add3A_562 = arith.constant 1 : i32
      %add3A_563 = vector.broadcast %add3A_562 : i32 to vector<16xi32>
      %add3A_564 = arith.addi %mul3A_561, %add3A_563 : vector<16xi32>
      tpu.vector_store_idx %arg8[%add3A_558], %add3A_564 : memref<1536xi32, #tpu.memory_space<vmem>>[vector<16xi32>], vector<16xi32>,
      %add3A_565 = arith.constant 2 : i32
      %add3A_566 = vector.broadcast %add3A_565 : i32 to vector<16xi32>
      %add3A_567 = arith.addi %add3A_552, %add3A_566 : vector<16xi32>
      %add3A_568 = arith.constant 2000 : i32
      %add3A_569 = vector.broadcast %add3A_568 : i32 to vector<16xi32>
      %add3A_570 = arith.addi %get3A_546, %add3A_569 : vector<16xi32>
      tpu.vector_store_idx %arg8[%add3A_567], %add3A_570 : memref<1536xi32, #tpu.memory_space<vmem>>[vector<16xi32>], vector<16xi32>,
      %get3A_571 = arith.constant 320 : index
      %get3A_572 = tpu.vector_load %arg6[%get3A_571] {strides = array<i32>} : memref<512xi32, #tpu.memory_space<vmem>>, vector<16xi32>,
      %get3A_573 = arith.constant 320 : index
      %get3A_574 = tpu.vector_load %arg7[%get3A_573] {strides = array<i32>} : memref<512xi32, #tpu.memory_space<vmem>>, vector<16xi32>,
      %mul3A_575 = arith.constant 3 : i32
      %mul3A_576 = vector.broadcast %mul3A_575 : i32 to vector<16xi32>
      %mul3A_577 = arith.muli %mul3A_576, %iota3A : vector<16xi32>
      %add3A_578 = arith.constant 960 : i32
      %add3A_579 = vector.broadcast %add3A_578 : i32 to vector<16xi32>
      %add3A_580 = arith.addi %add3A_579, %mul3A_577 : vector<16xi32>
      %mul3A_581 = arith.constant 2 : i32
      %mul3A_582 = vector.broadcast %mul3A_581 : i32 to vector<16xi32>
      %mul3A_583 = arith.muli %get3A_572, %mul3A_582 : vector<16xi32>
      tpu.vector_store_idx %arg8[%add3A_580], %mul3A_583 : memref<1536xi32, #tpu.memory_space<vmem>>[vector<16xi32>], vector<16xi32>,
      %add3A_584 = arith.constant 1 : i32
      %add3A_585 = vector.broadcast %add3A_584 : i32 to vector<16xi32>
      %add3A_586 = arith.addi %add3A_580, %add3A_585 : vector<16xi32>
      %mul3A_587 = arith.constant 2 : i32
      %mul3A_588 = vector.broadcast %mul3A_587 : i32 to vector<16xi32>
      %mul3A_589 = arith.muli %get3A_572, %mul3A_588 : vector<16xi32>
      %add3A_590 = arith.constant 1 : i32
      %add3A_591 = vector.broadcast %add3A_590 : i32 to vector<16xi32>
      %add3A_592 = arith.addi %mul3A_589, %add3A_591 : vector<16xi32>
      tpu.vector_store_idx %arg8[%add3A_586], %add3A_592 : memref<1536xi32, #tpu.memory_space<vmem>>[vector<16xi32>], vector<16xi32>,
      %add3A_593 = arith.constant 2 : i32
      %add3A_594 = vector.broadcast %add3A_593 : i32 to vector<16xi32>
      %add3A_595 = arith.addi %add3A_580, %add3A_594 : vector<16xi32>
      %add3A_596 = arith.constant 2000 : i32
      %add3A_597 = vector.broadcast %add3A_596 : i32 to vector<16xi32>
      %add3A_598 = arith.addi %get3A_574, %add3A_597 : vector<16xi32>
      tpu.vector_store_idx %arg8[%add3A_595], %add3A_598 : memref<1536xi32, #tpu.memory_space<vmem>>[vector<16xi32>], vector<16xi32>,
      %get3A_599 = arith.constant 336 : index
      %get3A_600 = tpu.vector_load %arg6[%get3A_599] {strides = array<i32>} : memref<512xi32, #tpu.memory_space<vmem>>, vector<16xi32>,
      %get3A_601 = arith.constant 336 : index
      %get3A_602 = tpu.vector_load %arg7[%get3A_601] {strides = array<i32>} : memref<512xi32, #tpu.memory_space<vmem>>, vector<16xi32>,
      %mul3A_603 = arith.constant 3 : i32
      %mul3A_604 = vector.broadcast %mul3A_603 : i32 to vector<16xi32>
      %mul3A_605 = arith.muli %mul3A_604, %iota3A : vector<16xi32>
      %add3A_606 = arith.constant 1008 : i32
      %add3A_607 = vector.broadcast %add3A_606 : i32 to vector<16xi32>
      %add3A_608 = arith.addi %add3A_607, %mul3A_605 : vector<16xi32>
      %mul3A_609 = arith.constant 2 : i32
      %mul3A_610 = vector.broadcast %mul3A_609 : i32 to vector<16xi32>
      %mul3A_611 = arith.muli %get3A_600, %mul3A_610 : vector<16xi32>
      tpu.vector_store_idx %arg8[%add3A_608], %mul3A_611 : memref<1536xi32, #tpu.memory_space<vmem>>[vector<16xi32>], vector<16xi32>,
      %add3A_612 = arith.constant 1 : i32
      %add3A_613 = vector.broadcast %add3A_612 : i32 to vector<16xi32>
      %add3A_614 = arith.addi %add3A_608, %add3A_613 : vector<16xi32>
      %mul3A_615 = arith.constant 2 : i32
      %mul3A_616 = vector.broadcast %mul3A_615 : i32 to vector<16xi32>
      %mul3A_617 = arith.muli %get3A_600, %mul3A_616 : vector<16xi32>
      %add3A_618 = arith.constant 1 : i32
      %add3A_619 = vector.broadcast %add3A_618 : i32 to vector<16xi32>
      %add3A_620 = arith.addi %mul3A_617, %add3A_619 : vector<16xi32>
      tpu.vector_store_idx %arg8[%add3A_614], %add3A_620 : memref<1536xi32, #tpu.memory_space<vmem>>[vector<16xi32>], vector<16xi32>,
      %add3A_621 = arith.constant 2 : i32
      %add3A_622 = vector.broadcast %add3A_621 : i32 to vector<16xi32>
      %add3A_623 = arith.addi %add3A_608, %add3A_622 : vector<16xi32>
      %add3A_624 = arith.constant 2000 : i32
      %add3A_625 = vector.broadcast %add3A_624 : i32 to vector<16xi32>
      %add3A_626 = arith.addi %get3A_602, %add3A_625 : vector<16xi32>
      tpu.vector_store_idx %arg8[%add3A_623], %add3A_626 : memref<1536xi32, #tpu.memory_space<vmem>>[vector<16xi32>], vector<16xi32>,
      %get3A_627 = arith.constant 352 : index
      %get3A_628 = tpu.vector_load %arg6[%get3A_627] {strides = array<i32>} : memref<512xi32, #tpu.memory_space<vmem>>, vector<16xi32>,
      %get3A_629 = arith.constant 352 : index
      %get3A_630 = tpu.vector_load %arg7[%get3A_629] {strides = array<i32>} : memref<512xi32, #tpu.memory_space<vmem>>, vector<16xi32>,
      %mul3A_631 = arith.constant 3 : i32
      %mul3A_632 = vector.broadcast %mul3A_631 : i32 to vector<16xi32>
      %mul3A_633 = arith.muli %mul3A_632, %iota3A : vector<16xi32>
      %add3A_634 = arith.constant 1056 : i32
      %add3A_635 = vector.broadcast %add3A_634 : i32 to vector<16xi32>
      %add3A_636 = arith.addi %add3A_635, %mul3A_633 : vector<16xi32>
      %mul3A_637 = arith.constant 2 : i32
      %mul3A_638 = vector.broadcast %mul3A_637 : i32 to vector<16xi32>
      %mul3A_639 = arith.muli %get3A_628, %mul3A_638 : vector<16xi32>
      tpu.vector_store_idx %arg8[%add3A_636], %mul3A_639 : memref<1536xi32, #tpu.memory_space<vmem>>[vector<16xi32>], vector<16xi32>,
      %add3A_640 = arith.constant 1 : i32
      %add3A_641 = vector.broadcast %add3A_640 : i32 to vector<16xi32>
      %add3A_642 = arith.addi %add3A_636, %add3A_641 : vector<16xi32>
      %mul3A_643 = arith.constant 2 : i32
      %mul3A_644 = vector.broadcast %mul3A_643 : i32 to vector<16xi32>
      %mul3A_645 = arith.muli %get3A_628, %mul3A_644 : vector<16xi32>
      %add3A_646 = arith.constant 1 : i32
      %add3A_647 = vector.broadcast %add3A_646 : i32 to vector<16xi32>
      %add3A_648 = arith.addi %mul3A_645, %add3A_647 : vector<16xi32>
      tpu.vector_store_idx %arg8[%add3A_642], %add3A_648 : memref<1536xi32, #tpu.memory_space<vmem>>[vector<16xi32>], vector<16xi32>,
      %add3A_649 = arith.constant 2 : i32
      %add3A_650 = vector.broadcast %add3A_649 : i32 to vector<16xi32>
      %add3A_651 = arith.addi %add3A_636, %add3A_650 : vector<16xi32>
      %add3A_652 = arith.constant 2000 : i32
      %add3A_653 = vector.broadcast %add3A_652 : i32 to vector<16xi32>
      %add3A_654 = arith.addi %get3A_630, %add3A_653 : vector<16xi32>
      tpu.vector_store_idx %arg8[%add3A_651], %add3A_654 : memref<1536xi32, #tpu.memory_space<vmem>>[vector<16xi32>], vector<16xi32>,
      %get3A_655 = arith.constant 368 : index
      %get3A_656 = tpu.vector_load %arg6[%get3A_655] {strides = array<i32>} : memref<512xi32, #tpu.memory_space<vmem>>, vector<16xi32>,
      %get3A_657 = arith.constant 368 : index
      %get3A_658 = tpu.vector_load %arg7[%get3A_657] {strides = array<i32>} : memref<512xi32, #tpu.memory_space<vmem>>, vector<16xi32>,
      %mul3A_659 = arith.constant 3 : i32
      %mul3A_660 = vector.broadcast %mul3A_659 : i32 to vector<16xi32>
      %mul3A_661 = arith.muli %mul3A_660, %iota3A : vector<16xi32>
      %add3A_662 = arith.constant 1104 : i32
      %add3A_663 = vector.broadcast %add3A_662 : i32 to vector<16xi32>
      %add3A_664 = arith.addi %add3A_663, %mul3A_661 : vector<16xi32>
      %mul3A_665 = arith.constant 2 : i32
      %mul3A_666 = vector.broadcast %mul3A_665 : i32 to vector<16xi32>
      %mul3A_667 = arith.muli %get3A_656, %mul3A_666 : vector<16xi32>
      tpu.vector_store_idx %arg8[%add3A_664], %mul3A_667 : memref<1536xi32, #tpu.memory_space<vmem>>[vector<16xi32>], vector<16xi32>,
      %add3A_668 = arith.constant 1 : i32
      %add3A_669 = vector.broadcast %add3A_668 : i32 to vector<16xi32>
      %add3A_670 = arith.addi %add3A_664, %add3A_669 : vector<16xi32>
      %mul3A_671 = arith.constant 2 : i32
      %mul3A_672 = vector.broadcast %mul3A_671 : i32 to vector<16xi32>
      %mul3A_673 = arith.muli %get3A_656, %mul3A_672 : vector<16xi32>
      %add3A_674 = arith.constant 1 : i32
      %add3A_675 = vector.broadcast %add3A_674 : i32 to vector<16xi32>
      %add3A_676 = arith.addi %mul3A_673, %add3A_675 : vector<16xi32>
      tpu.vector_store_idx %arg8[%add3A_670], %add3A_676 : memref<1536xi32, #tpu.memory_space<vmem>>[vector<16xi32>], vector<16xi32>,
      %add3A_677 = arith.constant 2 : i32
      %add3A_678 = vector.broadcast %add3A_677 : i32 to vector<16xi32>
      %add3A_679 = arith.addi %add3A_664, %add3A_678 : vector<16xi32>
      %add3A_680 = arith.constant 2000 : i32
      %add3A_681 = vector.broadcast %add3A_680 : i32 to vector<16xi32>
      %add3A_682 = arith.addi %get3A_658, %add3A_681 : vector<16xi32>
      tpu.vector_store_idx %arg8[%add3A_679], %add3A_682 : memref<1536xi32, #tpu.memory_space<vmem>>[vector<16xi32>], vector<16xi32>,
      %get3A_683 = arith.constant 384 : index
      %get3A_684 = tpu.vector_load %arg6[%get3A_683] {strides = array<i32>} : memref<512xi32, #tpu.memory_space<vmem>>, vector<16xi32>,
      %get3A_685 = arith.constant 384 : index
      %get3A_686 = tpu.vector_load %arg7[%get3A_685] {strides = array<i32>} : memref<512xi32, #tpu.memory_space<vmem>>, vector<16xi32>,
      %mul3A_687 = arith.constant 3 : i32
      %mul3A_688 = vector.broadcast %mul3A_687 : i32 to vector<16xi32>
      %mul3A_689 = arith.muli %mul3A_688, %iota3A : vector<16xi32>
      %add3A_690 = arith.constant 1152 : i32
      %add3A_691 = vector.broadcast %add3A_690 : i32 to vector<16xi32>
      %add3A_692 = arith.addi %add3A_691, %mul3A_689 : vector<16xi32>
      %mul3A_693 = arith.constant 2 : i32
      %mul3A_694 = vector.broadcast %mul3A_693 : i32 to vector<16xi32>
      %mul3A_695 = arith.muli %get3A_684, %mul3A_694 : vector<16xi32>
      tpu.vector_store_idx %arg8[%add3A_692], %mul3A_695 : memref<1536xi32, #tpu.memory_space<vmem>>[vector<16xi32>], vector<16xi32>,
      %add3A_696 = arith.constant 1 : i32
      %add3A_697 = vector.broadcast %add3A_696 : i32 to vector<16xi32>
      %add3A_698 = arith.addi %add3A_692, %add3A_697 : vector<16xi32>
      %mul3A_699 = arith.constant 2 : i32
      %mul3A_700 = vector.broadcast %mul3A_699 : i32 to vector<16xi32>
      %mul3A_701 = arith.muli %get3A_684, %mul3A_700 : vector<16xi32>
      %add3A_702 = arith.constant 1 : i32
      %add3A_703 = vector.broadcast %add3A_702 : i32 to vector<16xi32>
      %add3A_704 = arith.addi %mul3A_701, %add3A_703 : vector<16xi32>
      tpu.vector_store_idx %arg8[%add3A_698], %add3A_704 : memref<1536xi32, #tpu.memory_space<vmem>>[vector<16xi32>], vector<16xi32>,
      %add3A_705 = arith.constant 2 : i32
      %add3A_706 = vector.broadcast %add3A_705 : i32 to vector<16xi32>
      %add3A_707 = arith.addi %add3A_692, %add3A_706 : vector<16xi32>
      %add3A_708 = arith.constant 2000 : i32
      %add3A_709 = vector.broadcast %add3A_708 : i32 to vector<16xi32>
      %add3A_710 = arith.addi %get3A_686, %add3A_709 : vector<16xi32>
      tpu.vector_store_idx %arg8[%add3A_707], %add3A_710 : memref<1536xi32, #tpu.memory_space<vmem>>[vector<16xi32>], vector<16xi32>,
      %get3A_711 = arith.constant 400 : index
      %get3A_712 = tpu.vector_load %arg6[%get3A_711] {strides = array<i32>} : memref<512xi32, #tpu.memory_space<vmem>>, vector<16xi32>,
      %get3A_713 = arith.constant 400 : index
      %get3A_714 = tpu.vector_load %arg7[%get3A_713] {strides = array<i32>} : memref<512xi32, #tpu.memory_space<vmem>>, vector<16xi32>,
      %mul3A_715 = arith.constant 3 : i32
      %mul3A_716 = vector.broadcast %mul3A_715 : i32 to vector<16xi32>
      %mul3A_717 = arith.muli %mul3A_716, %iota3A : vector<16xi32>
      %add3A_718 = arith.constant 1200 : i32
      %add3A_719 = vector.broadcast %add3A_718 : i32 to vector<16xi32>
      %add3A_720 = arith.addi %add3A_719, %mul3A_717 : vector<16xi32>
      %mul3A_721 = arith.constant 2 : i32
      %mul3A_722 = vector.broadcast %mul3A_721 : i32 to vector<16xi32>
      %mul3A_723 = arith.muli %get3A_712, %mul3A_722 : vector<16xi32>
      tpu.vector_store_idx %arg8[%add3A_720], %mul3A_723 : memref<1536xi32, #tpu.memory_space<vmem>>[vector<16xi32>], vector<16xi32>,
      %add3A_724 = arith.constant 1 : i32
      %add3A_725 = vector.broadcast %add3A_724 : i32 to vector<16xi32>
      %add3A_726 = arith.addi %add3A_720, %add3A_725 : vector<16xi32>
      %mul3A_727 = arith.constant 2 : i32
      %mul3A_728 = vector.broadcast %mul3A_727 : i32 to vector<16xi32>
      %mul3A_729 = arith.muli %get3A_712, %mul3A_728 : vector<16xi32>
      %add3A_730 = arith.constant 1 : i32
      %add3A_731 = vector.broadcast %add3A_730 : i32 to vector<16xi32>
      %add3A_732 = arith.addi %mul3A_729, %add3A_731 : vector<16xi32>
      tpu.vector_store_idx %arg8[%add3A_726], %add3A_732 : memref<1536xi32, #tpu.memory_space<vmem>>[vector<16xi32>], vector<16xi32>,
      %add3A_733 = arith.constant 2 : i32
      %add3A_734 = vector.broadcast %add3A_733 : i32 to vector<16xi32>
      %add3A_735 = arith.addi %add3A_720, %add3A_734 : vector<16xi32>
      %add3A_736 = arith.constant 2000 : i32
      %add3A_737 = vector.broadcast %add3A_736 : i32 to vector<16xi32>
      %add3A_738 = arith.addi %get3A_714, %add3A_737 : vector<16xi32>
      tpu.vector_store_idx %arg8[%add3A_735], %add3A_738 : memref<1536xi32, #tpu.memory_space<vmem>>[vector<16xi32>], vector<16xi32>,
      %get3A_739 = arith.constant 416 : index
      %get3A_740 = tpu.vector_load %arg6[%get3A_739] {strides = array<i32>} : memref<512xi32, #tpu.memory_space<vmem>>, vector<16xi32>,
      %get3A_741 = arith.constant 416 : index
      %get3A_742 = tpu.vector_load %arg7[%get3A_741] {strides = array<i32>} : memref<512xi32, #tpu.memory_space<vmem>>, vector<16xi32>,
      %mul3A_743 = arith.constant 3 : i32
      %mul3A_744 = vector.broadcast %mul3A_743 : i32 to vector<16xi32>
      %mul3A_745 = arith.muli %mul3A_744, %iota3A : vector<16xi32>
      %add3A_746 = arith.constant 1248 : i32
      %add3A_747 = vector.broadcast %add3A_746 : i32 to vector<16xi32>
      %add3A_748 = arith.addi %add3A_747, %mul3A_745 : vector<16xi32>
      %mul3A_749 = arith.constant 2 : i32
      %mul3A_750 = vector.broadcast %mul3A_749 : i32 to vector<16xi32>
      %mul3A_751 = arith.muli %get3A_740, %mul3A_750 : vector<16xi32>
      tpu.vector_store_idx %arg8[%add3A_748], %mul3A_751 : memref<1536xi32, #tpu.memory_space<vmem>>[vector<16xi32>], vector<16xi32>,
      %add3A_752 = arith.constant 1 : i32
      %add3A_753 = vector.broadcast %add3A_752 : i32 to vector<16xi32>
      %add3A_754 = arith.addi %add3A_748, %add3A_753 : vector<16xi32>
      %mul3A_755 = arith.constant 2 : i32
      %mul3A_756 = vector.broadcast %mul3A_755 : i32 to vector<16xi32>
      %mul3A_757 = arith.muli %get3A_740, %mul3A_756 : vector<16xi32>
      %add3A_758 = arith.constant 1 : i32
      %add3A_759 = vector.broadcast %add3A_758 : i32 to vector<16xi32>
      %add3A_760 = arith.addi %mul3A_757, %add3A_759 : vector<16xi32>
      tpu.vector_store_idx %arg8[%add3A_754], %add3A_760 : memref<1536xi32, #tpu.memory_space<vmem>>[vector<16xi32>], vector<16xi32>,
      %add3A_761 = arith.constant 2 : i32
      %add3A_762 = vector.broadcast %add3A_761 : i32 to vector<16xi32>
      %add3A_763 = arith.addi %add3A_748, %add3A_762 : vector<16xi32>
      %add3A_764 = arith.constant 2000 : i32
      %add3A_765 = vector.broadcast %add3A_764 : i32 to vector<16xi32>
      %add3A_766 = arith.addi %get3A_742, %add3A_765 : vector<16xi32>
      tpu.vector_store_idx %arg8[%add3A_763], %add3A_766 : memref<1536xi32, #tpu.memory_space<vmem>>[vector<16xi32>], vector<16xi32>,
      %get3A_767 = arith.constant 432 : index
      %get3A_768 = tpu.vector_load %arg6[%get3A_767] {strides = array<i32>} : memref<512xi32, #tpu.memory_space<vmem>>, vector<16xi32>,
      %get3A_769 = arith.constant 432 : index
      %get3A_770 = tpu.vector_load %arg7[%get3A_769] {strides = array<i32>} : memref<512xi32, #tpu.memory_space<vmem>>, vector<16xi32>,
      %mul3A_771 = arith.constant 3 : i32
      %mul3A_772 = vector.broadcast %mul3A_771 : i32 to vector<16xi32>
      %mul3A_773 = arith.muli %mul3A_772, %iota3A : vector<16xi32>
      %add3A_774 = arith.constant 1296 : i32
      %add3A_775 = vector.broadcast %add3A_774 : i32 to vector<16xi32>
      %add3A_776 = arith.addi %add3A_775, %mul3A_773 : vector<16xi32>
      %mul3A_777 = arith.constant 2 : i32
      %mul3A_778 = vector.broadcast %mul3A_777 : i32 to vector<16xi32>
      %mul3A_779 = arith.muli %get3A_768, %mul3A_778 : vector<16xi32>
      tpu.vector_store_idx %arg8[%add3A_776], %mul3A_779 : memref<1536xi32, #tpu.memory_space<vmem>>[vector<16xi32>], vector<16xi32>,
      %add3A_780 = arith.constant 1 : i32
      %add3A_781 = vector.broadcast %add3A_780 : i32 to vector<16xi32>
      %add3A_782 = arith.addi %add3A_776, %add3A_781 : vector<16xi32>
      %mul3A_783 = arith.constant 2 : i32
      %mul3A_784 = vector.broadcast %mul3A_783 : i32 to vector<16xi32>
      %mul3A_785 = arith.muli %get3A_768, %mul3A_784 : vector<16xi32>
      %add3A_786 = arith.constant 1 : i32
      %add3A_787 = vector.broadcast %add3A_786 : i32 to vector<16xi32>
      %add3A_788 = arith.addi %mul3A_785, %add3A_787 : vector<16xi32>
      tpu.vector_store_idx %arg8[%add3A_782], %add3A_788 : memref<1536xi32, #tpu.memory_space<vmem>>[vector<16xi32>], vector<16xi32>,
      %add3A_789 = arith.constant 2 : i32
      %add3A_790 = vector.broadcast %add3A_789 : i32 to vector<16xi32>
      %add3A_791 = arith.addi %add3A_776, %add3A_790 : vector<16xi32>
      %add3A_792 = arith.constant 2000 : i32
      %add3A_793 = vector.broadcast %add3A_792 : i32 to vector<16xi32>
      %add3A_794 = arith.addi %get3A_770, %add3A_793 : vector<16xi32>
      tpu.vector_store_idx %arg8[%add3A_791], %add3A_794 : memref<1536xi32, #tpu.memory_space<vmem>>[vector<16xi32>], vector<16xi32>,
      %get3A_795 = arith.constant 448 : index
      %get3A_796 = tpu.vector_load %arg6[%get3A_795] {strides = array<i32>} : memref<512xi32, #tpu.memory_space<vmem>>, vector<16xi32>,
      %get3A_797 = arith.constant 448 : index
      %get3A_798 = tpu.vector_load %arg7[%get3A_797] {strides = array<i32>} : memref<512xi32, #tpu.memory_space<vmem>>, vector<16xi32>,
      %mul3A_799 = arith.constant 3 : i32
      %mul3A_800 = vector.broadcast %mul3A_799 : i32 to vector<16xi32>
      %mul3A_801 = arith.muli %mul3A_800, %iota3A : vector<16xi32>
      %add3A_802 = arith.constant 1344 : i32
      %add3A_803 = vector.broadcast %add3A_802 : i32 to vector<16xi32>
      %add3A_804 = arith.addi %add3A_803, %mul3A_801 : vector<16xi32>
      %mul3A_805 = arith.constant 2 : i32
      %mul3A_806 = vector.broadcast %mul3A_805 : i32 to vector<16xi32>
      %mul3A_807 = arith.muli %get3A_796, %mul3A_806 : vector<16xi32>
      tpu.vector_store_idx %arg8[%add3A_804], %mul3A_807 : memref<1536xi32, #tpu.memory_space<vmem>>[vector<16xi32>], vector<16xi32>,
      %add3A_808 = arith.constant 1 : i32
      %add3A_809 = vector.broadcast %add3A_808 : i32 to vector<16xi32>
      %add3A_810 = arith.addi %add3A_804, %add3A_809 : vector<16xi32>
      %mul3A_811 = arith.constant 2 : i32
      %mul3A_812 = vector.broadcast %mul3A_811 : i32 to vector<16xi32>
      %mul3A_813 = arith.muli %get3A_796, %mul3A_812 : vector<16xi32>
      %add3A_814 = arith.constant 1 : i32
      %add3A_815 = vector.broadcast %add3A_814 : i32 to vector<16xi32>
      %add3A_816 = arith.addi %mul3A_813, %add3A_815 : vector<16xi32>
      tpu.vector_store_idx %arg8[%add3A_810], %add3A_816 : memref<1536xi32, #tpu.memory_space<vmem>>[vector<16xi32>], vector<16xi32>,
      %add3A_817 = arith.constant 2 : i32
      %add3A_818 = vector.broadcast %add3A_817 : i32 to vector<16xi32>
      %add3A_819 = arith.addi %add3A_804, %add3A_818 : vector<16xi32>
      %add3A_820 = arith.constant 2000 : i32
      %add3A_821 = vector.broadcast %add3A_820 : i32 to vector<16xi32>
      %add3A_822 = arith.addi %get3A_798, %add3A_821 : vector<16xi32>
      tpu.vector_store_idx %arg8[%add3A_819], %add3A_822 : memref<1536xi32, #tpu.memory_space<vmem>>[vector<16xi32>], vector<16xi32>,
      %get3A_823 = arith.constant 464 : index
      %get3A_824 = tpu.vector_load %arg6[%get3A_823] {strides = array<i32>} : memref<512xi32, #tpu.memory_space<vmem>>, vector<16xi32>,
      %get3A_825 = arith.constant 464 : index
      %get3A_826 = tpu.vector_load %arg7[%get3A_825] {strides = array<i32>} : memref<512xi32, #tpu.memory_space<vmem>>, vector<16xi32>,
      %mul3A_827 = arith.constant 3 : i32
      %mul3A_828 = vector.broadcast %mul3A_827 : i32 to vector<16xi32>
      %mul3A_829 = arith.muli %mul3A_828, %iota3A : vector<16xi32>
      %add3A_830 = arith.constant 1392 : i32
      %add3A_831 = vector.broadcast %add3A_830 : i32 to vector<16xi32>
      %add3A_832 = arith.addi %add3A_831, %mul3A_829 : vector<16xi32>
      %mul3A_833 = arith.constant 2 : i32
      %mul3A_834 = vector.broadcast %mul3A_833 : i32 to vector<16xi32>
      %mul3A_835 = arith.muli %get3A_824, %mul3A_834 : vector<16xi32>
      tpu.vector_store_idx %arg8[%add3A_832], %mul3A_835 : memref<1536xi32, #tpu.memory_space<vmem>>[vector<16xi32>], vector<16xi32>,
      %add3A_836 = arith.constant 1 : i32
      %add3A_837 = vector.broadcast %add3A_836 : i32 to vector<16xi32>
      %add3A_838 = arith.addi %add3A_832, %add3A_837 : vector<16xi32>
      %mul3A_839 = arith.constant 2 : i32
      %mul3A_840 = vector.broadcast %mul3A_839 : i32 to vector<16xi32>
      %mul3A_841 = arith.muli %get3A_824, %mul3A_840 : vector<16xi32>
      %add3A_842 = arith.constant 1 : i32
      %add3A_843 = vector.broadcast %add3A_842 : i32 to vector<16xi32>
      %add3A_844 = arith.addi %mul3A_841, %add3A_843 : vector<16xi32>
      tpu.vector_store_idx %arg8[%add3A_838], %add3A_844 : memref<1536xi32, #tpu.memory_space<vmem>>[vector<16xi32>], vector<16xi32>,
      %add3A_845 = arith.constant 2 : i32
      %add3A_846 = vector.broadcast %add3A_845 : i32 to vector<16xi32>
      %add3A_847 = arith.addi %add3A_832, %add3A_846 : vector<16xi32>
      %add3A_848 = arith.constant 2000 : i32
      %add3A_849 = vector.broadcast %add3A_848 : i32 to vector<16xi32>
      %add3A_850 = arith.addi %get3A_826, %add3A_849 : vector<16xi32>
      tpu.vector_store_idx %arg8[%add3A_847], %add3A_850 : memref<1536xi32, #tpu.memory_space<vmem>>[vector<16xi32>], vector<16xi32>,
      %get3A_851 = arith.constant 480 : index
      %get3A_852 = tpu.vector_load %arg6[%get3A_851] {strides = array<i32>} : memref<512xi32, #tpu.memory_space<vmem>>, vector<16xi32>,
      %get3A_853 = arith.constant 480 : index
      %get3A_854 = tpu.vector_load %arg7[%get3A_853] {strides = array<i32>} : memref<512xi32, #tpu.memory_space<vmem>>, vector<16xi32>,
      %mul3A_855 = arith.constant 3 : i32
      %mul3A_856 = vector.broadcast %mul3A_855 : i32 to vector<16xi32>
      %mul3A_857 = arith.muli %mul3A_856, %iota3A : vector<16xi32>
      %add3A_858 = arith.constant 1440 : i32
      %add3A_859 = vector.broadcast %add3A_858 : i32 to vector<16xi32>
      %add3A_860 = arith.addi %add3A_859, %mul3A_857 : vector<16xi32>
      %mul3A_861 = arith.constant 2 : i32
      %mul3A_862 = vector.broadcast %mul3A_861 : i32 to vector<16xi32>
      %mul3A_863 = arith.muli %get3A_852, %mul3A_862 : vector<16xi32>
      tpu.vector_store_idx %arg8[%add3A_860], %mul3A_863 : memref<1536xi32, #tpu.memory_space<vmem>>[vector<16xi32>], vector<16xi32>,
      %add3A_864 = arith.constant 1 : i32
      %add3A_865 = vector.broadcast %add3A_864 : i32 to vector<16xi32>
      %add3A_866 = arith.addi %add3A_860, %add3A_865 : vector<16xi32>
      %mul3A_867 = arith.constant 2 : i32
      %mul3A_868 = vector.broadcast %mul3A_867 : i32 to vector<16xi32>
      %mul3A_869 = arith.muli %get3A_852, %mul3A_868 : vector<16xi32>
      %add3A_870 = arith.constant 1 : i32
      %add3A_871 = vector.broadcast %add3A_870 : i32 to vector<16xi32>
      %add3A_872 = arith.addi %mul3A_869, %add3A_871 : vector<16xi32>
      tpu.vector_store_idx %arg8[%add3A_866], %add3A_872 : memref<1536xi32, #tpu.memory_space<vmem>>[vector<16xi32>], vector<16xi32>,
      %add3A_873 = arith.constant 2 : i32
      %add3A_874 = vector.broadcast %add3A_873 : i32 to vector<16xi32>
      %add3A_875 = arith.addi %add3A_860, %add3A_874 : vector<16xi32>
      %add3A_876 = arith.constant 2000 : i32
      %add3A_877 = vector.broadcast %add3A_876 : i32 to vector<16xi32>
      %add3A_878 = arith.addi %get3A_854, %add3A_877 : vector<16xi32>
      tpu.vector_store_idx %arg8[%add3A_875], %add3A_878 : memref<1536xi32, #tpu.memory_space<vmem>>[vector<16xi32>], vector<16xi32>,
      %get3A_879 = arith.constant 496 : index
      %get3A_880 = tpu.vector_load %arg6[%get3A_879] {strides = array<i32>} : memref<512xi32, #tpu.memory_space<vmem>>, vector<16xi32>,
      %get3A_881 = arith.constant 496 : index
      %get3A_882 = tpu.vector_load %arg7[%get3A_881] {strides = array<i32>} : memref<512xi32, #tpu.memory_space<vmem>>, vector<16xi32>,
      %mul3A_883 = arith.constant 3 : i32
      %mul3A_884 = vector.broadcast %mul3A_883 : i32 to vector<16xi32>
      %mul3A_885 = arith.muli %mul3A_884, %iota3A : vector<16xi32>
      %add3A_886 = arith.constant 1488 : i32
      %add3A_887 = vector.broadcast %add3A_886 : i32 to vector<16xi32>
      %add3A_888 = arith.addi %add3A_887, %mul3A_885 : vector<16xi32>
      %mul3A_889 = arith.constant 2 : i32
      %mul3A_890 = vector.broadcast %mul3A_889 : i32 to vector<16xi32>
      %mul3A_891 = arith.muli %get3A_880, %mul3A_890 : vector<16xi32>
      tpu.vector_store_idx %arg8[%add3A_888], %mul3A_891 : memref<1536xi32, #tpu.memory_space<vmem>>[vector<16xi32>], vector<16xi32>,
      %add3A_892 = arith.constant 1 : i32
      %add3A_893 = vector.broadcast %add3A_892 : i32 to vector<16xi32>
      %add3A_894 = arith.addi %add3A_888, %add3A_893 : vector<16xi32>
      %mul3A_895 = arith.constant 2 : i32
      %mul3A_896 = vector.broadcast %mul3A_895 : i32 to vector<16xi32>
      %mul3A_897 = arith.muli %get3A_880, %mul3A_896 : vector<16xi32>
      %add3A_898 = arith.constant 1 : i32
      %add3A_899 = vector.broadcast %add3A_898 : i32 to vector<16xi32>
      %add3A_900 = arith.addi %mul3A_897, %add3A_899 : vector<16xi32>
      tpu.vector_store_idx %arg8[%add3A_894], %add3A_900 : memref<1536xi32, #tpu.memory_space<vmem>>[vector<16xi32>], vector<16xi32>,
      %add3A_901 = arith.constant 2 : i32
      %add3A_902 = vector.broadcast %add3A_901 : i32 to vector<16xi32>
      %add3A_903 = arith.addi %add3A_888, %add3A_902 : vector<16xi32>
      %add3A_904 = arith.constant 2000 : i32
      %add3A_905 = vector.broadcast %add3A_904 : i32 to vector<16xi32>
      %add3A_906 = arith.addi %get3A_882, %add3A_905 : vector<16xi32>
      tpu.vector_store_idx %arg8[%add3A_903], %add3A_906 : memref<1536xi32, #tpu.memory_space<vmem>>[vector<16xi32>], vector<16xi32>,
      %dma_start3A = arith.constant 0 : i32
      %dma_start3A_907 = arith.constant 0 : i32
      %dma_start3A_908 = tpu.memref_slice %arg9[%dma_start3A, %dma_start3A_907] : memref<1536x32xf32, #tpu.memory_space<vmem>> -> memref<96x32xf32, #tpu.memory_space<vmem>>
      %dma_start3A_909 = arith.constant 0 : i32
      %dma_start3A_910 = tpu.memref_slice %arg8[%dma_start3A_909] : memref<1536xi32, #tpu.memory_space<vmem>> -> memref<96xi32, #tpu.memory_space<vmem>>
      %dma_start3A_911 = arith.constant 0 : i32
      %dma_start3A_912 = arith.constant 0 : i32
      %dma_start3A_913 = tpu.memref_slice %arg4[%dma_start3A_911, %dma_start3A_912] : memref<3000x32xf32, #tpu.memory_space<hbm>> -> memref<3000x32xf32, #tpu.memory_space<hbm>>
      tpu.enqueue_indirect_dma source(%dma_start3A_913 : memref<3000x32xf32, #tpu.memory_space<hbm>>) target(%dma_start3A_908 : memref<96x32xf32, #tpu.memory_space<vmem>>) offsets(%dma_start3A_910 : memref<96xi32, #tpu.memory_space<vmem>>) semaphore(%arg10 : memref<!tpu.dma_semaphore, #tpu.memory_space<semaphore_mem>>)
      %dma_start3A_914 = arith.constant 96 : i32
      %dma_start3A_915 = arith.constant 0 : i32
      %dma_start3A_916 = tpu.memref_slice %arg9[%dma_start3A_914, %dma_start3A_915] : memref<1536x32xf32, #tpu.memory_space<vmem>> -> memref<96x32xf32, #tpu.memory_space<vmem>>
      %dma_start3A_917 = arith.constant 96 : i32
      %dma_start3A_918 = tpu.memref_slice %arg8[%dma_start3A_917] : memref<1536xi32, #tpu.memory_space<vmem>> -> memref<96xi32, #tpu.memory_space<vmem>>
      %dma_start3A_919 = arith.constant 0 : i32
      %dma_start3A_920 = arith.constant 0 : i32
      %dma_start3A_921 = tpu.memref_slice %arg4[%dma_start3A_919, %dma_start3A_920] : memref<3000x32xf32, #tpu.memory_space<hbm>> -> memref<3000x32xf32, #tpu.memory_space<hbm>>
      tpu.enqueue_indirect_dma source(%dma_start3A_921 : memref<3000x32xf32, #tpu.memory_space<hbm>>) target(%dma_start3A_916 : memref<96x32xf32, #tpu.memory_space<vmem>>) offsets(%dma_start3A_918 : memref<96xi32, #tpu.memory_space<vmem>>) semaphore(%arg10 : memref<!tpu.dma_semaphore, #tpu.memory_space<semaphore_mem>>)
      %dma_start3A_922 = arith.constant 192 : i32
      %dma_start3A_923 = arith.constant 0 : i32
      %dma_start3A_924 = tpu.memref_slice %arg9[%dma_start3A_922, %dma_start3A_923] : memref<1536x32xf32, #tpu.memory_space<vmem>> -> memref<96x32xf32, #tpu.memory_space<vmem>>
      %dma_start3A_925 = arith.constant 192 : i32
      %dma_start3A_926 = tpu.memref_slice %arg8[%dma_start3A_925] : memref<1536xi32, #tpu.memory_space<vmem>> -> memref<96xi32, #tpu.memory_space<vmem>>
      %dma_start3A_927 = arith.constant 0 : i32
      %dma_start3A_928 = arith.constant 0 : i32
      %dma_start3A_929 = tpu.memref_slice %arg4[%dma_start3A_927, %dma_start3A_928] : memref<3000x32xf32, #tpu.memory_space<hbm>> -> memref<3000x32xf32, #tpu.memory_space<hbm>>
      tpu.enqueue_indirect_dma source(%dma_start3A_929 : memref<3000x32xf32, #tpu.memory_space<hbm>>) target(%dma_start3A_924 : memref<96x32xf32, #tpu.memory_space<vmem>>) offsets(%dma_start3A_926 : memref<96xi32, #tpu.memory_space<vmem>>) semaphore(%arg10 : memref<!tpu.dma_semaphore, #tpu.memory_space<semaphore_mem>>)
      %dma_start3A_930 = arith.constant 288 : i32
      %dma_start3A_931 = arith.constant 0 : i32
      %dma_start3A_932 = tpu.memref_slice %arg9[%dma_start3A_930, %dma_start3A_931] : memref<1536x32xf32, #tpu.memory_space<vmem>> -> memref<96x32xf32, #tpu.memory_space<vmem>>
      %dma_start3A_933 = arith.constant 288 : i32
      %dma_start3A_934 = tpu.memref_slice %arg8[%dma_start3A_933] : memref<1536xi32, #tpu.memory_space<vmem>> -> memref<96xi32, #tpu.memory_space<vmem>>
      %dma_start3A_935 = arith.constant 0 : i32
      %dma_start3A_936 = arith.constant 0 : i32
      %dma_start3A_937 = tpu.memref_slice %arg4[%dma_start3A_935, %dma_start3A_936] : memref<3000x32xf32, #tpu.memory_space<hbm>> -> memref<3000x32xf32, #tpu.memory_space<hbm>>
      tpu.enqueue_indirect_dma source(%dma_start3A_937 : memref<3000x32xf32, #tpu.memory_space<hbm>>) target(%dma_start3A_932 : memref<96x32xf32, #tpu.memory_space<vmem>>) offsets(%dma_start3A_934 : memref<96xi32, #tpu.memory_space<vmem>>) semaphore(%arg10 : memref<!tpu.dma_semaphore, #tpu.memory_space<semaphore_mem>>)
      %dma_start3A_938 = arith.constant 384 : i32
      %dma_start3A_939 = arith.constant 0 : i32
      %dma_start3A_940 = tpu.memref_slice %arg9[%dma_start3A_938, %dma_start3A_939] : memref<1536x32xf32, #tpu.memory_space<vmem>> -> memref<96x32xf32, #tpu.memory_space<vmem>>
      %dma_start3A_941 = arith.constant 384 : i32
      %dma_start3A_942 = tpu.memref_slice %arg8[%dma_start3A_941] : memref<1536xi32, #tpu.memory_space<vmem>> -> memref<96xi32, #tpu.memory_space<vmem>>
      %dma_start3A_943 = arith.constant 0 : i32
      %dma_start3A_944 = arith.constant 0 : i32
      %dma_start3A_945 = tpu.memref_slice %arg4[%dma_start3A_943, %dma_start3A_944] : memref<3000x32xf32, #tpu.memory_space<hbm>> -> memref<3000x32xf32, #tpu.memory_space<hbm>>
      tpu.enqueue_indirect_dma source(%dma_start3A_945 : memref<3000x32xf32, #tpu.memory_space<hbm>>) target(%dma_start3A_940 : memref<96x32xf32, #tpu.memory_space<vmem>>) offsets(%dma_start3A_942 : memref<96xi32, #tpu.memory_space<vmem>>) semaphore(%arg10 : memref<!tpu.dma_semaphore, #tpu.memory_space<semaphore_mem>>)
      %dma_start3A_946 = arith.constant 480 : i32
      %dma_start3A_947 = arith.constant 0 : i32
      %dma_start3A_948 = tpu.memref_slice %arg9[%dma_start3A_946, %dma_start3A_947] : memref<1536x32xf32, #tpu.memory_space<vmem>> -> memref<96x32xf32, #tpu.memory_space<vmem>>
      %dma_start3A_949 = arith.constant 480 : i32
      %dma_start3A_950 = tpu.memref_slice %arg8[%dma_start3A_949] : memref<1536xi32, #tpu.memory_space<vmem>> -> memref<96xi32, #tpu.memory_space<vmem>>
      %dma_start3A_951 = arith.constant 0 : i32
      %dma_start3A_952 = arith.constant 0 : i32
      %dma_start3A_953 = tpu.memref_slice %arg4[%dma_start3A_951, %dma_start3A_952] : memref<3000x32xf32, #tpu.memory_space<hbm>> -> memref<3000x32xf32, #tpu.memory_space<hbm>>
      tpu.enqueue_indirect_dma source(%dma_start3A_953 : memref<3000x32xf32, #tpu.memory_space<hbm>>) target(%dma_start3A_948 : memref<96x32xf32, #tpu.memory_space<vmem>>) offsets(%dma_start3A_950 : memref<96xi32, #tpu.memory_space<vmem>>) semaphore(%arg10 : memref<!tpu.dma_semaphore, #tpu.memory_space<semaphore_mem>>)
      %dma_start3A_954 = arith.constant 576 : i32
      %dma_start3A_955 = arith.constant 0 : i32
      %dma_start3A_956 = tpu.memref_slice %arg9[%dma_start3A_954, %dma_start3A_955] : memref<1536x32xf32, #tpu.memory_space<vmem>> -> memref<96x32xf32, #tpu.memory_space<vmem>>
      %dma_start3A_957 = arith.constant 576 : i32
      %dma_start3A_958 = tpu.memref_slice %arg8[%dma_start3A_957] : memref<1536xi32, #tpu.memory_space<vmem>> -> memref<96xi32, #tpu.memory_space<vmem>>
      %dma_start3A_959 = arith.constant 0 : i32
      %dma_start3A_960 = arith.constant 0 : i32
      %dma_start3A_961 = tpu.memref_slice %arg4[%dma_start3A_959, %dma_start3A_960] : memref<3000x32xf32, #tpu.memory_space<hbm>> -> memref<3000x32xf32, #tpu.memory_space<hbm>>
      tpu.enqueue_indirect_dma source(%dma_start3A_961 : memref<3000x32xf32, #tpu.memory_space<hbm>>) target(%dma_start3A_956 : memref<96x32xf32, #tpu.memory_space<vmem>>) offsets(%dma_start3A_958 : memref<96xi32, #tpu.memory_space<vmem>>) semaphore(%arg10 : memref<!tpu.dma_semaphore, #tpu.memory_space<semaphore_mem>>)
      %dma_start3A_962 = arith.constant 672 : i32
      %dma_start3A_963 = arith.constant 0 : i32
      %dma_start3A_964 = tpu.memref_slice %arg9[%dma_start3A_962, %dma_start3A_963] : memref<1536x32xf32, #tpu.memory_space<vmem>> -> memref<96x32xf32, #tpu.memory_space<vmem>>
      %dma_start3A_965 = arith.constant 672 : i32
      %dma_start3A_966 = tpu.memref_slice %arg8[%dma_start3A_965] : memref<1536xi32, #tpu.memory_space<vmem>> -> memref<96xi32, #tpu.memory_space<vmem>>
      %dma_start3A_967 = arith.constant 0 : i32
      %dma_start3A_968 = arith.constant 0 : i32
      %dma_start3A_969 = tpu.memref_slice %arg4[%dma_start3A_967, %dma_start3A_968] : memref<3000x32xf32, #tpu.memory_space<hbm>> -> memref<3000x32xf32, #tpu.memory_space<hbm>>
      tpu.enqueue_indirect_dma source(%dma_start3A_969 : memref<3000x32xf32, #tpu.memory_space<hbm>>) target(%dma_start3A_964 : memref<96x32xf32, #tpu.memory_space<vmem>>) offsets(%dma_start3A_966 : memref<96xi32, #tpu.memory_space<vmem>>) semaphore(%arg10 : memref<!tpu.dma_semaphore, #tpu.memory_space<semaphore_mem>>)
      %dma_start3A_970 = arith.constant 768 : i32
      %dma_start3A_971 = arith.constant 0 : i32
      %dma_start3A_972 = tpu.memref_slice %arg9[%dma_start3A_970, %dma_start3A_971] : memref<1536x32xf32, #tpu.memory_space<vmem>> -> memref<96x32xf32, #tpu.memory_space<vmem>>
      %dma_start3A_973 = arith.constant 768 : i32
      %dma_start3A_974 = tpu.memref_slice %arg8[%dma_start3A_973] : memref<1536xi32, #tpu.memory_space<vmem>> -> memref<96xi32, #tpu.memory_space<vmem>>
      %dma_start3A_975 = arith.constant 0 : i32
      %dma_start3A_976 = arith.constant 0 : i32
      %dma_start3A_977 = tpu.memref_slice %arg4[%dma_start3A_975, %dma_start3A_976] : memref<3000x32xf32, #tpu.memory_space<hbm>> -> memref<3000x32xf32, #tpu.memory_space<hbm>>
      tpu.enqueue_indirect_dma source(%dma_start3A_977 : memref<3000x32xf32, #tpu.memory_space<hbm>>) target(%dma_start3A_972 : memref<96x32xf32, #tpu.memory_space<vmem>>) offsets(%dma_start3A_974 : memref<96xi32, #tpu.memory_space<vmem>>) semaphore(%arg10 : memref<!tpu.dma_semaphore, #tpu.memory_space<semaphore_mem>>)
      %dma_start3A_978 = arith.constant 864 : i32
      %dma_start3A_979 = arith.constant 0 : i32
      %dma_start3A_980 = tpu.memref_slice %arg9[%dma_start3A_978, %dma_start3A_979] : memref<1536x32xf32, #tpu.memory_space<vmem>> -> memref<96x32xf32, #tpu.memory_space<vmem>>
      %dma_start3A_981 = arith.constant 864 : i32
      %dma_start3A_982 = tpu.memref_slice %arg8[%dma_start3A_981] : memref<1536xi32, #tpu.memory_space<vmem>> -> memref<96xi32, #tpu.memory_space<vmem>>
      %dma_start3A_983 = arith.constant 0 : i32
      %dma_start3A_984 = arith.constant 0 : i32
      %dma_start3A_985 = tpu.memref_slice %arg4[%dma_start3A_983, %dma_start3A_984] : memref<3000x32xf32, #tpu.memory_space<hbm>> -> memref<3000x32xf32, #tpu.memory_space<hbm>>
      tpu.enqueue_indirect_dma source(%dma_start3A_985 : memref<3000x32xf32, #tpu.memory_space<hbm>>) target(%dma_start3A_980 : memref<96x32xf32, #tpu.memory_space<vmem>>) offsets(%dma_start3A_982 : memref<96xi32, #tpu.memory_space<vmem>>) semaphore(%arg10 : memref<!tpu.dma_semaphore, #tpu.memory_space<semaphore_mem>>)
      %dma_start3A_986 = arith.constant 960 : i32
      %dma_start3A_987 = arith.constant 0 : i32
      %dma_start3A_988 = tpu.memref_slice %arg9[%dma_start3A_986, %dma_start3A_987] : memref<1536x32xf32, #tpu.memory_space<vmem>> -> memref<96x32xf32, #tpu.memory_space<vmem>>
      %dma_start3A_989 = arith.constant 960 : i32
      %dma_start3A_990 = tpu.memref_slice %arg8[%dma_start3A_989] : memref<1536xi32, #tpu.memory_space<vmem>> -> memref<96xi32, #tpu.memory_space<vmem>>
      %dma_start3A_991 = arith.constant 0 : i32
      %dma_start3A_992 = arith.constant 0 : i32
      %dma_start3A_993 = tpu.memref_slice %arg4[%dma_start3A_991, %dma_start3A_992] : memref<3000x32xf32, #tpu.memory_space<hbm>> -> memref<3000x32xf32, #tpu.memory_space<hbm>>
      tpu.enqueue_indirect_dma source(%dma_start3A_993 : memref<3000x32xf32, #tpu.memory_space<hbm>>) target(%dma_start3A_988 : memref<96x32xf32, #tpu.memory_space<vmem>>) offsets(%dma_start3A_990 : memref<96xi32, #tpu.memory_space<vmem>>) semaphore(%arg10 : memref<!tpu.dma_semaphore, #tpu.memory_space<semaphore_mem>>)
      %dma_start3A_994 = arith.constant 1056 : i32
      %dma_start3A_995 = arith.constant 0 : i32
      %dma_start3A_996 = tpu.memref_slice %arg9[%dma_start3A_994, %dma_start3A_995] : memref<1536x32xf32, #tpu.memory_space<vmem>> -> memref<96x32xf32, #tpu.memory_space<vmem>>
      %dma_start3A_997 = arith.constant 1056 : i32
      %dma_start3A_998 = tpu.memref_slice %arg8[%dma_start3A_997] : memref<1536xi32, #tpu.memory_space<vmem>> -> memref<96xi32, #tpu.memory_space<vmem>>
      %dma_start3A_999 = arith.constant 0 : i32
      %dma_start3A_1000 = arith.constant 0 : i32
      %dma_start3A_1001 = tpu.memref_slice %arg4[%dma_start3A_999, %dma_start3A_1000] : memref<3000x32xf32, #tpu.memory_space<hbm>> -> memref<3000x32xf32, #tpu.memory_space<hbm>>
      tpu.enqueue_indirect_dma source(%dma_start3A_1001 : memref<3000x32xf32, #tpu.memory_space<hbm>>) target(%dma_start3A_996 : memref<96x32xf32, #tpu.memory_space<vmem>>) offsets(%dma_start3A_998 : memref<96xi32, #tpu.memory_space<vmem>>) semaphore(%arg10 : memref<!tpu.dma_semaphore, #tpu.memory_space<semaphore_mem>>)
      %dma_start3A_1002 = arith.constant 1152 : i32
      %dma_start3A_1003 = arith.constant 0 : i32
      %dma_start3A_1004 = tpu.memref_slice %arg9[%dma_start3A_1002, %dma_start3A_1003] : memref<1536x32xf32, #tpu.memory_space<vmem>> -> memref<96x32xf32, #tpu.memory_space<vmem>>
      %dma_start3A_1005 = arith.constant 1152 : i32
      %dma_start3A_1006 = tpu.memref_slice %arg8[%dma_start3A_1005] : memref<1536xi32, #tpu.memory_space<vmem>> -> memref<96xi32, #tpu.memory_space<vmem>>
      %dma_start3A_1007 = arith.constant 0 : i32
      %dma_start3A_1008 = arith.constant 0 : i32
      %dma_start3A_1009 = tpu.memref_slice %arg4[%dma_start3A_1007, %dma_start3A_1008] : memref<3000x32xf32, #tpu.memory_space<hbm>> -> memref<3000x32xf32, #tpu.memory_space<hbm>>
      tpu.enqueue_indirect_dma source(%dma_start3A_1009 : memref<3000x32xf32, #tpu.memory_space<hbm>>) target(%dma_start3A_1004 : memref<96x32xf32, #tpu.memory_space<vmem>>) offsets(%dma_start3A_1006 : memref<96xi32, #tpu.memory_space<vmem>>) semaphore(%arg10 : memref<!tpu.dma_semaphore, #tpu.memory_space<semaphore_mem>>)
      %dma_start3A_1010 = arith.constant 1248 : i32
      %dma_start3A_1011 = arith.constant 0 : i32
      %dma_start3A_1012 = tpu.memref_slice %arg9[%dma_start3A_1010, %dma_start3A_1011] : memref<1536x32xf32, #tpu.memory_space<vmem>> -> memref<96x32xf32, #tpu.memory_space<vmem>>
      %dma_start3A_1013 = arith.constant 1248 : i32
      %dma_start3A_1014 = tpu.memref_slice %arg8[%dma_start3A_1013] : memref<1536xi32, #tpu.memory_space<vmem>> -> memref<96xi32, #tpu.memory_space<vmem>>
      %dma_start3A_1015 = arith.constant 0 : i32
      %dma_start3A_1016 = arith.constant 0 : i32
      %dma_start3A_1017 = tpu.memref_slice %arg4[%dma_start3A_1015, %dma_start3A_1016] : memref<3000x32xf32, #tpu.memory_space<hbm>> -> memref<3000x32xf32, #tpu.memory_space<hbm>>
      tpu.enqueue_indirect_dma source(%dma_start3A_1017 : memref<3000x32xf32, #tpu.memory_space<hbm>>) target(%dma_start3A_1012 : memref<96x32xf32, #tpu.memory_space<vmem>>) offsets(%dma_start3A_1014 : memref<96xi32, #tpu.memory_space<vmem>>) semaphore(%arg10 : memref<!tpu.dma_semaphore, #tpu.memory_space<semaphore_mem>>)
      %dma_start3A_1018 = arith.constant 1344 : i32
      %dma_start3A_1019 = arith.constant 0 : i32
      %dma_start3A_1020 = tpu.memref_slice %arg9[%dma_start3A_1018, %dma_start3A_1019] : memref<1536x32xf32, #tpu.memory_space<vmem>> -> memref<96x32xf32, #tpu.memory_space<vmem>>
      %dma_start3A_1021 = arith.constant 1344 : i32
      %dma_start3A_1022 = tpu.memref_slice %arg8[%dma_start3A_1021] : memref<1536xi32, #tpu.memory_space<vmem>> -> memref<96xi32, #tpu.memory_space<vmem>>
      %dma_start3A_1023 = arith.constant 0 : i32
      %dma_start3A_1024 = arith.constant 0 : i32
      %dma_start3A_1025 = tpu.memref_slice %arg4[%dma_start3A_1023, %dma_start3A_1024] : memref<3000x32xf32, #tpu.memory_space<hbm>> -> memref<3000x32xf32, #tpu.memory_space<hbm>>
      tpu.enqueue_indirect_dma source(%dma_start3A_1025 : memref<3000x32xf32, #tpu.memory_space<hbm>>) target(%dma_start3A_1020 : memref<96x32xf32, #tpu.memory_space<vmem>>) offsets(%dma_start3A_1022 : memref<96xi32, #tpu.memory_space<vmem>>) semaphore(%arg10 : memref<!tpu.dma_semaphore, #tpu.memory_space<semaphore_mem>>)
      %dma_start3A_1026 = arith.constant 1440 : i32
      %dma_start3A_1027 = arith.constant 0 : i32
      %dma_start3A_1028 = tpu.memref_slice %arg9[%dma_start3A_1026, %dma_start3A_1027] : memref<1536x32xf32, #tpu.memory_space<vmem>> -> memref<96x32xf32, #tpu.memory_space<vmem>>
      %dma_start3A_1029 = arith.constant 1440 : i32
      %dma_start3A_1030 = tpu.memref_slice %arg8[%dma_start3A_1029] : memref<1536xi32, #tpu.memory_space<vmem>> -> memref<96xi32, #tpu.memory_space<vmem>>
      %dma_start3A_1031 = arith.constant 0 : i32
      %dma_start3A_1032 = arith.constant 0 : i32
      %dma_start3A_1033 = tpu.memref_slice %arg4[%dma_start3A_1031, %dma_start3A_1032] : memref<3000x32xf32, #tpu.memory_space<hbm>> -> memref<3000x32xf32, #tpu.memory_space<hbm>>
      tpu.enqueue_indirect_dma source(%dma_start3A_1033 : memref<3000x32xf32, #tpu.memory_space<hbm>>) target(%dma_start3A_1028 : memref<96x32xf32, #tpu.memory_space<vmem>>) offsets(%dma_start3A_1030 : memref<96xi32, #tpu.memory_space<vmem>>) semaphore(%arg10 : memref<!tpu.dma_semaphore, #tpu.memory_space<semaphore_mem>>)
      %dma_wait3A = arith.constant 0 : i32
      %dma_wait3A_1034 = arith.constant 0 : i32
      %dma_wait3A_1035 = tpu.memref_slice %arg9[%dma_wait3A, %dma_wait3A_1034] : memref<1536x32xf32, #tpu.memory_space<vmem>> -> memref<96x32xf32, #tpu.memory_space<vmem>>
      %dma_wait3A_1036 = arith.constant 0 : i32
      %dma_wait3A_1037 = tpu.memref_slice %arg8[%dma_wait3A_1036] : memref<1536xi32, #tpu.memory_space<vmem>> -> memref<96xi32, #tpu.memory_space<vmem>>
      %dma_wait3A_1038 = arith.constant 0 : i32
      %dma_wait3A_1039 = arith.constant 0 : i32
      %dma_wait3A_1040 = tpu.memref_slice %arg4[%dma_wait3A_1038, %dma_wait3A_1039] : memref<3000x32xf32, #tpu.memory_space<hbm>> -> memref<3000x32xf32, #tpu.memory_space<hbm>>
      tpu.wait_indirect_dma semaphore(%arg10 : memref<!tpu.dma_semaphore, #tpu.memory_space<semaphore_mem>>) src(%dma_wait3A_1040 : memref<3000x32xf32, #tpu.memory_space<hbm>>) dst(%dma_wait3A_1035 : memref<96x32xf32, #tpu.memory_space<vmem>>)
      %dma_wait3A_1041 = arith.constant 96 : i32
      %dma_wait3A_1042 = arith.constant 0 : i32
      %dma_wait3A_1043 = tpu.memref_slice %arg9[%dma_wait3A_1041, %dma_wait3A_1042] : memref<1536x32xf32, #tpu.memory_space<vmem>> -> memref<96x32xf32, #tpu.memory_space<vmem>>
      %dma_wait3A_1044 = arith.constant 96 : i32
      %dma_wait3A_1045 = tpu.memref_slice %arg8[%dma_wait3A_1044] : memref<1536xi32, #tpu.memory_space<vmem>> -> memref<96xi32, #tpu.memory_space<vmem>>
      %dma_wait3A_1046 = arith.constant 0 : i32
      %dma_wait3A_1047 = arith.constant 0 : i32
      %dma_wait3A_1048 = tpu.memref_slice %arg4[%dma_wait3A_1046, %dma_wait3A_1047] : memref<3000x32xf32, #tpu.memory_space<hbm>> -> memref<3000x32xf32, #tpu.memory_space<hbm>>
      tpu.wait_indirect_dma semaphore(%arg10 : memref<!tpu.dma_semaphore, #tpu.memory_space<semaphore_mem>>) src(%dma_wait3A_1048 : memref<3000x32xf32, #tpu.memory_space<hbm>>) dst(%dma_wait3A_1043 : memref<96x32xf32, #tpu.memory_space<vmem>>)
      %dma_wait3A_1049 = arith.constant 192 : i32
      %dma_wait3A_1050 = arith.constant 0 : i32
      %dma_wait3A_1051 = tpu.memref_slice %arg9[%dma_wait3A_1049, %dma_wait3A_1050] : memref<1536x32xf32, #tpu.memory_space<vmem>> -> memref<96x32xf32, #tpu.memory_space<vmem>>
      %dma_wait3A_1052 = arith.constant 192 : i32
      %dma_wait3A_1053 = tpu.memref_slice %arg8[%dma_wait3A_1052] : memref<1536xi32, #tpu.memory_space<vmem>> -> memref<96xi32, #tpu.memory_space<vmem>>
      %dma_wait3A_1054 = arith.constant 0 : i32
      %dma_wait3A_1055 = arith.constant 0 : i32
      %dma_wait3A_1056 = tpu.memref_slice %arg4[%dma_wait3A_1054, %dma_wait3A_1055] : memref<3000x32xf32, #tpu.memory_space<hbm>> -> memref<3000x32xf32, #tpu.memory_space<hbm>>
      tpu.wait_indirect_dma semaphore(%arg10 : memref<!tpu.dma_semaphore, #tpu.memory_space<semaphore_mem>>) src(%dma_wait3A_1056 : memref<3000x32xf32, #tpu.memory_space<hbm>>) dst(%dma_wait3A_1051 : memref<96x32xf32, #tpu.memory_space<vmem>>)
      %dma_wait3A_1057 = arith.constant 288 : i32
      %dma_wait3A_1058 = arith.constant 0 : i32
      %dma_wait3A_1059 = tpu.memref_slice %arg9[%dma_wait3A_1057, %dma_wait3A_1058] : memref<1536x32xf32, #tpu.memory_space<vmem>> -> memref<96x32xf32, #tpu.memory_space<vmem>>
      %dma_wait3A_1060 = arith.constant 288 : i32
      %dma_wait3A_1061 = tpu.memref_slice %arg8[%dma_wait3A_1060] : memref<1536xi32, #tpu.memory_space<vmem>> -> memref<96xi32, #tpu.memory_space<vmem>>
      %dma_wait3A_1062 = arith.constant 0 : i32
      %dma_wait3A_1063 = arith.constant 0 : i32
      %dma_wait3A_1064 = tpu.memref_slice %arg4[%dma_wait3A_1062, %dma_wait3A_1063] : memref<3000x32xf32, #tpu.memory_space<hbm>> -> memref<3000x32xf32, #tpu.memory_space<hbm>>
      tpu.wait_indirect_dma semaphore(%arg10 : memref<!tpu.dma_semaphore, #tpu.memory_space<semaphore_mem>>) src(%dma_wait3A_1064 : memref<3000x32xf32, #tpu.memory_space<hbm>>) dst(%dma_wait3A_1059 : memref<96x32xf32, #tpu.memory_space<vmem>>)
      %dma_wait3A_1065 = arith.constant 384 : i32
      %dma_wait3A_1066 = arith.constant 0 : i32
      %dma_wait3A_1067 = tpu.memref_slice %arg9[%dma_wait3A_1065, %dma_wait3A_1066] : memref<1536x32xf32, #tpu.memory_space<vmem>> -> memref<96x32xf32, #tpu.memory_space<vmem>>
      %dma_wait3A_1068 = arith.constant 384 : i32
      %dma_wait3A_1069 = tpu.memref_slice %arg8[%dma_wait3A_1068] : memref<1536xi32, #tpu.memory_space<vmem>> -> memref<96xi32, #tpu.memory_space<vmem>>
      %dma_wait3A_1070 = arith.constant 0 : i32
      %dma_wait3A_1071 = arith.constant 0 : i32
      %dma_wait3A_1072 = tpu.memref_slice %arg4[%dma_wait3A_1070, %dma_wait3A_1071] : memref<3000x32xf32, #tpu.memory_space<hbm>> -> memref<3000x32xf32, #tpu.memory_space<hbm>>
      tpu.wait_indirect_dma semaphore(%arg10 : memref<!tpu.dma_semaphore, #tpu.memory_space<semaphore_mem>>) src(%dma_wait3A_1072 : memref<3000x32xf32, #tpu.memory_space<hbm>>) dst(%dma_wait3A_1067 : memref<96x32xf32, #tpu.memory_space<vmem>>)
      %dma_wait3A_1073 = arith.constant 480 : i32
      %dma_wait3A_1074 = arith.constant 0 : i32
      %dma_wait3A_1075 = tpu.memref_slice %arg9[%dma_wait3A_1073, %dma_wait3A_1074] : memref<1536x32xf32, #tpu.memory_space<vmem>> -> memref<96x32xf32, #tpu.memory_space<vmem>>
      %dma_wait3A_1076 = arith.constant 480 : i32
      %dma_wait3A_1077 = tpu.memref_slice %arg8[%dma_wait3A_1076] : memref<1536xi32, #tpu.memory_space<vmem>> -> memref<96xi32, #tpu.memory_space<vmem>>
      %dma_wait3A_1078 = arith.constant 0 : i32
      %dma_wait3A_1079 = arith.constant 0 : i32
      %dma_wait3A_1080 = tpu.memref_slice %arg4[%dma_wait3A_1078, %dma_wait3A_1079] : memref<3000x32xf32, #tpu.memory_space<hbm>> -> memref<3000x32xf32, #tpu.memory_space<hbm>>
      tpu.wait_indirect_dma semaphore(%arg10 : memref<!tpu.dma_semaphore, #tpu.memory_space<semaphore_mem>>) src(%dma_wait3A_1080 : memref<3000x32xf32, #tpu.memory_space<hbm>>) dst(%dma_wait3A_1075 : memref<96x32xf32, #tpu.memory_space<vmem>>)
      %dma_wait3A_1081 = arith.constant 576 : i32
      %dma_wait3A_1082 = arith.constant 0 : i32
      %dma_wait3A_1083 = tpu.memref_slice %arg9[%dma_wait3A_1081, %dma_wait3A_1082] : memref<1536x32xf32, #tpu.memory_space<vmem>> -> memref<96x32xf32, #tpu.memory_space<vmem>>
      %dma_wait3A_1084 = arith.constant 576 : i32
      %dma_wait3A_1085 = tpu.memref_slice %arg8[%dma_wait3A_1084] : memref<1536xi32, #tpu.memory_space<vmem>> -> memref<96xi32, #tpu.memory_space<vmem>>
      %dma_wait3A_1086 = arith.constant 0 : i32
      %dma_wait3A_1087 = arith.constant 0 : i32
      %dma_wait3A_1088 = tpu.memref_slice %arg4[%dma_wait3A_1086, %dma_wait3A_1087] : memref<3000x32xf32, #tpu.memory_space<hbm>> -> memref<3000x32xf32, #tpu.memory_space<hbm>>
      tpu.wait_indirect_dma semaphore(%arg10 : memref<!tpu.dma_semaphore, #tpu.memory_space<semaphore_mem>>) src(%dma_wait3A_1088 : memref<3000x32xf32, #tpu.memory_space<hbm>>) dst(%dma_wait3A_1083 : memref<96x32xf32, #tpu.memory_space<vmem>>)
      %dma_wait3A_1089 = arith.constant 672 : i32
      %dma_wait3A_1090 = arith.constant 0 : i32
      %dma_wait3A_1091 = tpu.memref_slice %arg9[%dma_wait3A_1089, %dma_wait3A_1090] : memref<1536x32xf32, #tpu.memory_space<vmem>> -> memref<96x32xf32, #tpu.memory_space<vmem>>
      %dma_wait3A_1092 = arith.constant 672 : i32
      %dma_wait3A_1093 = tpu.memref_slice %arg8[%dma_wait3A_1092] : memref<1536xi32, #tpu.memory_space<vmem>> -> memref<96xi32, #tpu.memory_space<vmem>>
      %dma_wait3A_1094 = arith.constant 0 : i32
      %dma_wait3A_1095 = arith.constant 0 : i32
      %dma_wait3A_1096 = tpu.memref_slice %arg4[%dma_wait3A_1094, %dma_wait3A_1095] : memref<3000x32xf32, #tpu.memory_space<hbm>> -> memref<3000x32xf32, #tpu.memory_space<hbm>>
      tpu.wait_indirect_dma semaphore(%arg10 : memref<!tpu.dma_semaphore, #tpu.memory_space<semaphore_mem>>) src(%dma_wait3A_1096 : memref<3000x32xf32, #tpu.memory_space<hbm>>) dst(%dma_wait3A_1091 : memref<96x32xf32, #tpu.memory_space<vmem>>)
      %dma_wait3A_1097 = arith.constant 768 : i32
      %dma_wait3A_1098 = arith.constant 0 : i32
      %dma_wait3A_1099 = tpu.memref_slice %arg9[%dma_wait3A_1097, %dma_wait3A_1098] : memref<1536x32xf32, #tpu.memory_space<vmem>> -> memref<96x32xf32, #tpu.memory_space<vmem>>
      %dma_wait3A_1100 = arith.constant 768 : i32
      %dma_wait3A_1101 = tpu.memref_slice %arg8[%dma_wait3A_1100] : memref<1536xi32, #tpu.memory_space<vmem>> -> memref<96xi32, #tpu.memory_space<vmem>>
      %dma_wait3A_1102 = arith.constant 0 : i32
      %dma_wait3A_1103 = arith.constant 0 : i32
      %dma_wait3A_1104 = tpu.memref_slice %arg4[%dma_wait3A_1102, %dma_wait3A_1103] : memref<3000x32xf32, #tpu.memory_space<hbm>> -> memref<3000x32xf32, #tpu.memory_space<hbm>>
      tpu.wait_indirect_dma semaphore(%arg10 : memref<!tpu.dma_semaphore, #tpu.memory_space<semaphore_mem>>) src(%dma_wait3A_1104 : memref<3000x32xf32, #tpu.memory_space<hbm>>) dst(%dma_wait3A_1099 : memref<96x32xf32, #tpu.memory_space<vmem>>)
      %dma_wait3A_1105 = arith.constant 864 : i32
      %dma_wait3A_1106 = arith.constant 0 : i32
      %dma_wait3A_1107 = tpu.memref_slice %arg9[%dma_wait3A_1105, %dma_wait3A_1106] : memref<1536x32xf32, #tpu.memory_space<vmem>> -> memref<96x32xf32, #tpu.memory_space<vmem>>
      %dma_wait3A_1108 = arith.constant 864 : i32
      %dma_wait3A_1109 = tpu.memref_slice %arg8[%dma_wait3A_1108] : memref<1536xi32, #tpu.memory_space<vmem>> -> memref<96xi32, #tpu.memory_space<vmem>>
      %dma_wait3A_1110 = arith.constant 0 : i32
      %dma_wait3A_1111 = arith.constant 0 : i32
      %dma_wait3A_1112 = tpu.memref_slice %arg4[%dma_wait3A_1110, %dma_wait3A_1111] : memref<3000x32xf32, #tpu.memory_space<hbm>> -> memref<3000x32xf32, #tpu.memory_space<hbm>>
      tpu.wait_indirect_dma semaphore(%arg10 : memref<!tpu.dma_semaphore, #tpu.memory_space<semaphore_mem>>) src(%dma_wait3A_1112 : memref<3000x32xf32, #tpu.memory_space<hbm>>) dst(%dma_wait3A_1107 : memref<96x32xf32, #tpu.memory_space<vmem>>)
      %dma_wait3A_1113 = arith.constant 960 : i32
      %dma_wait3A_1114 = arith.constant 0 : i32
      %dma_wait3A_1115 = tpu.memref_slice %arg9[%dma_wait3A_1113, %dma_wait3A_1114] : memref<1536x32xf32, #tpu.memory_space<vmem>> -> memref<96x32xf32, #tpu.memory_space<vmem>>
      %dma_wait3A_1116 = arith.constant 960 : i32
      %dma_wait3A_1117 = tpu.memref_slice %arg8[%dma_wait3A_1116] : memref<1536xi32, #tpu.memory_space<vmem>> -> memref<96xi32, #tpu.memory_space<vmem>>
      %dma_wait3A_1118 = arith.constant 0 : i32
      %dma_wait3A_1119 = arith.constant 0 : i32
      %dma_wait3A_1120 = tpu.memref_slice %arg4[%dma_wait3A_1118, %dma_wait3A_1119] : memref<3000x32xf32, #tpu.memory_space<hbm>> -> memref<3000x32xf32, #tpu.memory_space<hbm>>
      tpu.wait_indirect_dma semaphore(%arg10 : memref<!tpu.dma_semaphore, #tpu.memory_space<semaphore_mem>>) src(%dma_wait3A_1120 : memref<3000x32xf32, #tpu.memory_space<hbm>>) dst(%dma_wait3A_1115 : memref<96x32xf32, #tpu.memory_space<vmem>>)
      %dma_wait3A_1121 = arith.constant 1056 : i32
      %dma_wait3A_1122 = arith.constant 0 : i32
      %dma_wait3A_1123 = tpu.memref_slice %arg9[%dma_wait3A_1121, %dma_wait3A_1122] : memref<1536x32xf32, #tpu.memory_space<vmem>> -> memref<96x32xf32, #tpu.memory_space<vmem>>
      %dma_wait3A_1124 = arith.constant 1056 : i32
      %dma_wait3A_1125 = tpu.memref_slice %arg8[%dma_wait3A_1124] : memref<1536xi32, #tpu.memory_space<vmem>> -> memref<96xi32, #tpu.memory_space<vmem>>
      %dma_wait3A_1126 = arith.constant 0 : i32
      %dma_wait3A_1127 = arith.constant 0 : i32
      %dma_wait3A_1128 = tpu.memref_slice %arg4[%dma_wait3A_1126, %dma_wait3A_1127] : memref<3000x32xf32, #tpu.memory_space<hbm>> -> memref<3000x32xf32, #tpu.memory_space<hbm>>
      tpu.wait_indirect_dma semaphore(%arg10 : memref<!tpu.dma_semaphore, #tpu.memory_space<semaphore_mem>>) src(%dma_wait3A_1128 : memref<3000x32xf32, #tpu.memory_space<hbm>>) dst(%dma_wait3A_1123 : memref<96x32xf32, #tpu.memory_space<vmem>>)
      %dma_wait3A_1129 = arith.constant 1152 : i32
      %dma_wait3A_1130 = arith.constant 0 : i32
      %dma_wait3A_1131 = tpu.memref_slice %arg9[%dma_wait3A_1129, %dma_wait3A_1130] : memref<1536x32xf32, #tpu.memory_space<vmem>> -> memref<96x32xf32, #tpu.memory_space<vmem>>
      %dma_wait3A_1132 = arith.constant 1152 : i32
      %dma_wait3A_1133 = tpu.memref_slice %arg8[%dma_wait3A_1132] : memref<1536xi32, #tpu.memory_space<vmem>> -> memref<96xi32, #tpu.memory_space<vmem>>
      %dma_wait3A_1134 = arith.constant 0 : i32
      %dma_wait3A_1135 = arith.constant 0 : i32
      %dma_wait3A_1136 = tpu.memref_slice %arg4[%dma_wait3A_1134, %dma_wait3A_1135] : memref<3000x32xf32, #tpu.memory_space<hbm>> -> memref<3000x32xf32, #tpu.memory_space<hbm>>
      tpu.wait_indirect_dma semaphore(%arg10 : memref<!tpu.dma_semaphore, #tpu.memory_space<semaphore_mem>>) src(%dma_wait3A_1136 : memref<3000x32xf32, #tpu.memory_space<hbm>>) dst(%dma_wait3A_1131 : memref<96x32xf32, #tpu.memory_space<vmem>>)
      %dma_wait3A_1137 = arith.constant 1248 : i32
      %dma_wait3A_1138 = arith.constant 0 : i32
      %dma_wait3A_1139 = tpu.memref_slice %arg9[%dma_wait3A_1137, %dma_wait3A_1138] : memref<1536x32xf32, #tpu.memory_space<vmem>> -> memref<96x32xf32, #tpu.memory_space<vmem>>
      %dma_wait3A_1140 = arith.constant 1248 : i32
      %dma_wait3A_1141 = tpu.memref_slice %arg8[%dma_wait3A_1140] : memref<1536xi32, #tpu.memory_space<vmem>> -> memref<96xi32, #tpu.memory_space<vmem>>
      %dma_wait3A_1142 = arith.constant 0 : i32
      %dma_wait3A_1143 = arith.constant 0 : i32
      %dma_wait3A_1144 = tpu.memref_slice %arg4[%dma_wait3A_1142, %dma_wait3A_1143] : memref<3000x32xf32, #tpu.memory_space<hbm>> -> memref<3000x32xf32, #tpu.memory_space<hbm>>
      tpu.wait_indirect_dma semaphore(%arg10 : memref<!tpu.dma_semaphore, #tpu.memory_space<semaphore_mem>>) src(%dma_wait3A_1144 : memref<3000x32xf32, #tpu.memory_space<hbm>>) dst(%dma_wait3A_1139 : memref<96x32xf32, #tpu.memory_space<vmem>>)
      %dma_wait3A_1145 = arith.constant 1344 : i32
      %dma_wait3A_1146 = arith.constant 0 : i32
      %dma_wait3A_1147 = tpu.memref_slice %arg9[%dma_wait3A_1145, %dma_wait3A_1146] : memref<1536x32xf32, #tpu.memory_space<vmem>> -> memref<96x32xf32, #tpu.memory_space<vmem>>
      %dma_wait3A_1148 = arith.constant 1344 : i32
      %dma_wait3A_1149 = tpu.memref_slice %arg8[%dma_wait3A_1148] : memref<1536xi32, #tpu.memory_space<vmem>> -> memref<96xi32, #tpu.memory_space<vmem>>
      %dma_wait3A_1150 = arith.constant 0 : i32
      %dma_wait3A_1151 = arith.constant 0 : i32
      %dma_wait3A_1152 = tpu.memref_slice %arg4[%dma_wait3A_1150, %dma_wait3A_1151] : memref<3000x32xf32, #tpu.memory_space<hbm>> -> memref<3000x32xf32, #tpu.memory_space<hbm>>
      tpu.wait_indirect_dma semaphore(%arg10 : memref<!tpu.dma_semaphore, #tpu.memory_space<semaphore_mem>>) src(%dma_wait3A_1152 : memref<3000x32xf32, #tpu.memory_space<hbm>>) dst(%dma_wait3A_1147 : memref<96x32xf32, #tpu.memory_space<vmem>>)
      %dma_wait3A_1153 = arith.constant 1440 : i32
      %dma_wait3A_1154 = arith.constant 0 : i32
      %dma_wait3A_1155 = tpu.memref_slice %arg9[%dma_wait3A_1153, %dma_wait3A_1154] : memref<1536x32xf32, #tpu.memory_space<vmem>> -> memref<96x32xf32, #tpu.memory_space<vmem>>
      %dma_wait3A_1156 = arith.constant 1440 : i32
      %dma_wait3A_1157 = tpu.memref_slice %arg8[%dma_wait3A_1156] : memref<1536xi32, #tpu.memory_space<vmem>> -> memref<96xi32, #tpu.memory_space<vmem>>
      %dma_wait3A_1158 = arith.constant 0 : i32
      %dma_wait3A_1159 = arith.constant 0 : i32
      %dma_wait3A_1160 = tpu.memref_slice %arg4[%dma_wait3A_1158, %dma_wait3A_1159] : memref<3000x32xf32, #tpu.memory_space<hbm>> -> memref<3000x32xf32, #tpu.memory_space<hbm>>
      tpu.wait_indirect_dma semaphore(%arg10 : memref<!tpu.dma_semaphore, #tpu.memory_space<semaphore_mem>>) src(%dma_wait3A_1160 : memref<3000x32xf32, #tpu.memory_space<hbm>>) dst(%dma_wait3A_1155 : memref<96x32xf32, #tpu.memory_space<vmem>>)
      %mul3A_1161 = arith.constant 3 : i32
      %mul3A_1162 = arith.muli %add3A_11, %mul3A_1161 : i32
      "tpu.region"() ({
        %run_scoped3A = tpu.sem_alloc : memref<!tpu.dma_semaphore, #tpu.memory_space<semaphore_mem>>
        %dma_start3A_1163 = arith.constant 0 : i32
        %dma_start3A_1164 = tpu.memref_slice %arg5[%mul3A_1162, %dma_start3A_1163] : memref<2457600x32xf32, #tpu.memory_space<hbm>> -> memref<1536x32xf32, #tpu.memory_space<hbm>>
        %dma_start3A_1165 = arith.constant 0 : i32
        %dma_start3A_1166 = tpu.memref_slice %arg5[%mul3A_1162, %dma_start3A_1165] : memref<2457600x32xf32, #tpu.memory_space<hbm>> -> memref<1536x32xf32, #tpu.memory_space<hbm>>
        tpu.enqueue_dma source(%arg9 : memref<1536x32xf32, #tpu.memory_space<vmem>>) target(%dma_start3A_1166 : memref<1536x32xf32, #tpu.memory_space<hbm>>) target_semaphore(%run_scoped3A : memref<!tpu.dma_semaphore, #tpu.memory_space<semaphore_mem>>)
        %dma_wait3A_1167 = arith.constant 0 : i32
        %dma_wait3A_1168 = tpu.memref_slice %arg5[%mul3A_1162, %dma_wait3A_1167] : memref<2457600x32xf32, #tpu.memory_space<hbm>> -> memref<1536x32xf32, #tpu.memory_space<hbm>>
        %dma_wait3A_1169 = arith.constant 0 : i32
        %dma_wait3A_1170 = tpu.memref_slice %arg5[%mul3A_1162, %dma_wait3A_1169] : memref<2457600x32xf32, #tpu.memory_space<hbm>> -> memref<1536x32xf32, #tpu.memory_space<hbm>>
        tpu.wait_dma2 semaphore(%run_scoped3A : memref<!tpu.dma_semaphore, #tpu.memory_space<semaphore_mem>>) src(%arg9 : memref<1536x32xf32, #tpu.memory_space<vmem>>) dst(%dma_wait3A_1170 : memref<1536x32xf32, #tpu.memory_space<hbm>>)
        tpu.yield
      }) : () -> ()
    }
    %scan3A_7 = arith.constant 50 : i32
    return
  }
}

</mosaic_0001>

<sc_bundles>
// kernel: kernel.3.cloned.1.call-start
scs
__scs_entry_jumppad:
0x0: {  	(pc) =	sbr.rel $0x88, $3  }
0x1: {  	(tag) =	ssettag $0x0;
	lr =	simm.s32 $0x1  }
0x2: {  	[smem:$0x3F9D] =	sst lr;
	_ =	strace $0xD0000000  }
0x3: {  	_ = 	snop  }
0x4: {  	_ = 	snop  }
0x5: {  	_ = 	snop  }
0x6: {  	_ = 	snop  }
0x7: {  	_ = 	snop  }
__scs_overlays_trampoline_lowered:
0x8: {  	[smem:$0x3FAC] =	sst s0  }
0x9: {  	[smem:$0x3FAD] =	sst s1  }
0xa: {  	[smem:$0x3FAE] =	sst s2  }
0xb: {  	[smem:$0x3FAF] =	sst s3  }
0xc: {  	[smem:$0x3FB0] =	sst s4  }
0xd: {  	[smem:$0x3FB1] =	sst s5  }
0xe: {  	[smem:$0x3FB2] =	sst s6  }
0xf: {  	[smem:$0x3FB3] =	sst s7  }
0x10: {  	[smem:$0x3FB4] =	sst s8  }
0x11: {  	[smem:$0x3FB5] =	sst s9;
	s0 =	simm.s32 @!p0 $0x0  }
0x12: {  	s1 =	sld [smem:$0x3F9B];
	s0 =	simm.s32 @p0 $0x1  }
0x13: {  	[smem:$0x3FB6] =	sst s0;
	s0 =	simm.s32 @!p1 $0x0  }
0x14: {  	s2 =	sld [smem:$0x3F9A];
	s0 =	simm.s32 @p1 $0x1  }
0x15: {  	[smem:$0x3FB7] =	sst s0;
	s0 =	simm.s32 @!p2 $0x0  }
0x16: {  	s3 =	sld [smem:$0x3FDB];
	s0 =	simm.s32 @p2 $0x1  }
0x17: {  	s4 =	simm.s32 $0x1BF5;
	[smem:$0x3FB9] =	sst s0  }
0x18: {  	s0 =	sld [smem:$0x3F9C];
	_ =	swait.ge [sflag:s4], $0x0  }
0x19: {  	s7 =	sld [smem:$0x3F9D]  }
0x1a: {  	s8 =	sadd.s32 $0xFFFFE003, lr  }
0x1b: {  	s9 =	sadd.s32 $0xFFFFFEF7, lr;
	s5 =	simm.s32 $0xFFFFFFFF;
	p2 =	slt.u32 s8, $0xFFFFF086  }
0x1c: {  	p1 =	slt.u32 s9, $0xF7A;
	s5 =	simm.s32 @!p2 $0x0  }
0x1d: {  	s5 =	simm.s32 @p1 $0x1;
	p0 =	seq.s32 s7, s2  }
0x1e: {  	s7 =	smul.u32 @!p0 $0xF7A, s2;
	p2 =	seq.s32 @!p0 s5, $0x0  }
0x1f: {  	s9 =	smul.u32 $0xF7A, s1;
	s8 =	simm.s32 @!p0 $0x1BF5;
	p2 =	por !p2, p0  }
0x20: {  	[sflag:s8] =	ssyncset.s32 @!p0 $0xFFFFF086;
	s6 =	sadd.s32 @!p0 s3, s7;
	s7 =	simm.s32 @!p0 $0x108  }
0x21: {  	s3 =	sadd.s32 s3, s9;
	s6 =	sadd.s32 @!p0 $0x88, s6;
	s7 =	simm.s32 @p2 $0x1082  }
0x22: {  	[simem:s7], [sflag:s8] =	dma.local @!p0 [hbm:s6], $0xF7A  }
0x23: {  	s9 =	sor.u32 $0xD0000000, s2;
	s6 =	simm.s32 $0x108;
	_ =	swait.ge @!p0 [sflag:s8], $0x0  }
0x24: {  	s3 =	sadd.s32 $0x88, s3;
	s6 =	simm.s32 @!p1 $0x1082;
	[sflag:s4] =	ssyncset.s32 $0xFFFFF086  }
0x25: {  	[simem:s6], [sflag:s4] =	dma.local [hbm:s3], $0xF7A  }
0x26: {  	[smem:$0x3F9D] =	sst s1;
	(tag) =	ssettag s2;
	_ =	strace s9  }
0x27: {  	s1 =	sld [smem:$0x3FAD]  }
0x28: {  	s2 =	sld [smem:$0x3FAE]  }
0x29: {  	s4 =	sld [smem:$0x3FB0]  }
0x2a: {  	p0 =	seq.s32 s5, $0x0;
	s5 =	sld [smem:$0x3FB1]  }
0x2b: {  	s6 =	sld [smem:$0x3FB2]  }
0x2c: {  	s7 =	sld [smem:$0x3FB3]  }
0x2d: {  	s3 =	simm.s32 $0x108;
	s8 =	sld [smem:$0x3FB4]  }
0x2e: {  	s3 =	simm.s32 @!p0 $0x1082;
	s9 =	sld [smem:$0x3FB5]  }
0x2f: {  	lr =	sadd.s32 s0, s3;
	s0 =	sld [smem:$0x3FAC]  }
0x30: {  	s3 =	sld [smem:$0x3FAF]  }
0x31: {  	[smem:$0x3FB8] =	sst s10  }
0x32: {  	s10 =	sld [smem:$0x3FB6];
	_ =	sdelay $0x3  }
0x33: {  	p0 =	seq.s32 s10, $0x1;
	s10 =	sld [smem:$0x3FB8];
	_ =	sdelay $0x3  }
0x34: {  	[smem:$0x3FB8] =	sst s10  }
0x35: {  	s10 =	sld [smem:$0x3FB7];
	_ =	sdelay $0x3  }
0x36: {  	p1 =	seq.s32 s10, $0x1;
	s10 =	sld [smem:$0x3FB8];
	_ =	sdelay $0x3  }
0x37: {  	[smem:$0x3FB8] =	sst s10  }
0x38: {  	s10 =	sld [smem:$0x3FB9]  }
0x39: {  	_ = 	snop;
	(pc) =	sbr.ind lr, $3  }
0x3a: {  	_ = 	snop  }
0x3b: {  	_ = 	snop  }
0x3c: {  	p2 =	seq.s32 s10, $0x1;
	s10 =	sld [smem:$0x3FB8]  }
0x3d: {  	_ =	shalt  }
0x3e: {  	_ =	shalt  }
0x3f: {  	_ =	shalt  }
0x40: {  	_ =	shalt  }
0x41: {  	_ =	shalt  }
0x42: {  	_ =	shalt  }
0x43: {  	_ =	shalt  }
0x44: {  	_ =	shalt  }
0x45: {  	_ =	shalt  }
0x46: {  	_ =	shalt  }
0x47: {  	_ =	shalt  }
0x48: {  	_ =	shalt  }
0x49: {  	_ =	shalt  }
0x4a: {  	_ =	shalt  }
0x4b: {  	_ =	shalt  }
0x4c: {  	_ =	shalt  }
0x4d: {  	_ =	shalt  }
0x4e: {  	_ =	shalt  }
0x4f: {  	_ =	shalt  }
0x50: {  	_ =	shalt  }
0x51: {  	_ =	shalt  }
0x52: {  	_ =	shalt  }
0x53: {  	_ =	shalt  }
0x54: {  	_ =	shalt  }
0x55: {  	_ =	shalt  }
0x56: {  	_ =	shalt  }
0x57: {  	_ =	shalt  }
0x58: {  	_ =	shalt  }
0x59: {  	_ =	shalt  }
0x5a: {  	_ =	shalt  }
0x5b: {  	_ =	shalt  }
0x5c: {  	_ =	shalt  }
0x5d: {  	_ =	shalt  }
0x5e: {  	_ =	shalt  }
0x5f: {  	_ =	shalt  }
0x60: {  	_ =	shalt  }
0x61: {  	_ =	shalt  }
0x62: {  	_ =	shalt  }
0x63: {  	_ =	shalt  }
0x64: {  	_ =	shalt  }
0x65: {  	_ =	shalt  }
0x66: {  	_ =	shalt  }
0x67: {  	_ =	shalt  }
0x68: {  	_ =	shalt  }
0x69: {  	_ =	shalt  }
0x6a: {  	_ =	shalt  }
0x6b: {  	_ =	shalt  }
0x6c: {  	_ =	shalt  }
0x6d: {  	_ =	shalt  }
0x6e: {  	_ =	shalt  }
0x6f: {  	_ =	shalt  }
0x70: {  	_ =	shalt  }
0x71: {  	_ =	shalt  }
0x72: {  	_ =	shalt  }
0x73: {  	_ =	shalt  }
0x74: {  	_ =	shalt  }
0x75: {  	_ =	shalt  }
0x76: {  	_ =	shalt  }
0x77: {  	_ =	shalt  }
0x78: {  	_ =	shalt  }
0x79: {  	_ =	shalt  }
0x7a: {  	_ =	shalt  }
0x7b: {  	_ =	shalt  }
0x7c: {  	_ =	shalt  }
0x7d: {  	_ =	shalt  }
0x7e: {  	_ =	shalt  }
0x7f: {  	_ =	shalt  }
0x80: {  	_ =	shalt  }
0x81: {  	_ =	shalt  }
0x82: {  	_ =	shalt  }
0x83: {  	_ =	shalt  }
0x84: {  	_ =	shalt  }
0x85: {  	_ =	shalt  }
0x86: {  	_ =	shalt  }
0x87: {  	_ =	shalt  }
.Lfunc_end0:
.L_simem_size_0:
called_computation.1_lowered:
.L_overlay_start_0:
0x88: {  	s2 =	sld [smem:$0x3FD9]  }
0x89: {  	s3 =	sld [smem:$0x3FFE];
	_ =	sdelay $0x1  }
0x8a: {  	s1 =	srdreg.scid  }
0x8b: {  	s0 =	sand.u32 $0x1, s1  }
0x8c: {  	s17 =	sshll.u32 s0, $0xA;
	s2 =	sadd.s32 s3, s2  }
0x8d: {  	s2 =	sadd.s32 s2, s17  }
0x8e: {  	[smem:$0x3FC4] =	sst s2  }
0x8f: {  	_ = 	snop  }
0x90: {  	s2 =	sld [smem:$0x3FD0];
	(tm) =	ssettm $0x1  }
0x91: {  	s18 =	sld [smem:$0x3FFB];
	_ =	sdelay $0x3  }
0x92: {  	_ =	strace s18  }
0x93: {  	s3 =	sld [smem:$0x3FFC];
	_ =	sdelay $0x3  }
0x94: {  	_ =	strace s3  }
0x95: {  	s3 =	sld [smem:$0x3FFD];
	_ =	sdelay $0x3  }
0x96: {  	_ =	strace s3  }
0x97: {  	_ =	strace $0x8FFFFFFF  }
0x98: {  	s19 =	sld [smem:$0x3FDB];
	_ =	sdelay $0x1  }
0x99: {  	s4 =	simm.s32 $_scs_section_size  }
0x9a: {  	s5 =	simm.s32 $_size__tile_overlayer_lowered;
	s6 =	simm.s32 $_tile_overlayer_lowered  }
0x9b: {  	s22 =	simm.s32 $0x1BFF;
	s21 =	sshll.u32 s6, $0x1;
	s3 =	sadd.s32 s4, s19  }
0x9c: {  	s7 =	simm.s32 $0x0;
	s20 =	sshll.u32 s5, $0x1;
	s5 =	sadd.s32 s21, s3  }
0x9d: {  	[timem:s7], [sflag:s22] =	dma.local [hbm:s5], s20  }
0x9e: {  	_ =	swait.ge [sflag:s22], s20  }
0x9f: {  	s4 =	ssub.s32 $0x0, s20;
	[sflag:s22] =	ssyncset.done $0x0  }
0xa0: {  	[sflag:s22] =	ssyncadd.s32 s4;
	_ =	sdelay $0x1  }
0xa1: {  	s23 =	simm.s32 $0x1B8B  }
0xa2: {  	_ =	swait.ge [sflag:s23], $0x1  }
0xa3: {  	[sflag:s23] =	ssyncset.done $0x0  }
0xa4: {  	s25 =	simm.s32 $0x1B8E;
	s24 =	sld [smem:$0x3FFE];
	[sflag:s23] =	ssyncadd.s32 $0xFFFFFFFF  }
0xa5: {  	s26 =	simm.s32 $execute0_lowered;
	[smem:$0x3FD2] =	sst s25  }
0xa6: {  	s5 =	sshll.u32 s26, $0x1;
	_ =	strace $0x80000046;
	[dreg:$0x1] =	wrdreg $0xFFFFFFFF  }
0xa7: {  	s28 =	simm.s32 $_size_execute0_lowered;
	s3 =	sadd.s32 s3, s5;
	[dreg:$0x0] =	wrdreg $0x0  }
0xa8: {  	s5 =	sshll.u32 s28, $0x1;
	[dreg:$0x2] =	wrdreg s3  }
0xa9: {  	[dreg:$0x3] =	wrdreg s5  }
0xaa: {  	[dreg:$0x4] =	wrdreg $0xC0  }
0xab: {  	_ =	task [dreg:s7], $0x5FFFF  }
0xac: {  	[dreg:$0x1] =	wrdreg $0xFFFFFFFF  }
0xad: {  	[dreg:$0x0] =	wrdreg $0x60  }
0xae: {  	[dreg:$0x2] =	wrdreg s24  }
0xaf: {  	[dreg:$0x3] =	wrdreg s2  }
0xb0: {  	[dreg:$0x4] =	wrdreg $0x9  }
0xb1: {  	_ =	task.clear_ibuf [dreg:s7], $0x5FFFF;
	_ =	strace $0x90000046  }
0xb2: {  	s29 =	simm.s32 $0x9;
	_ =	strace $0x80000048  }
0xb3: {  	_ =	swait.ge [sflag:s29], $0x1  }
0xb4: {  	[sflag:s29] =	ssyncadd.s32 $0xFFFFFFFF  }
0xb5: {  	_ =	strace $0x90000048  }
0xb6: {  	_ =	sfence  }
0xb7: {  	s30 =	sld [smem:$0x0];
	_ =	sdelay $0x2  }
0xb8: {  	s31 =	sshll.u32 s1, $0xD;
	s1 =	sshrl.u32 s1, $0x2  }
0xb9: {  	s3 =	sand.u32 $0x4000, s31;
	s1 =	sadd.s32 s1, s30  }
0xba: {  	s0 =	sor.u32 s3, s0;
	s1 =	sshll.u32 s1, $0x11  }
0xbb: {  	s0 =	sor.u32 s1, s0  }
0xbc: {  	s0 =	sadd.s32 $0x8F2B, s0  }
0xbd: {  	[sflag:s0] =	ssyncadd.remote.s32 $0x1  }
0xbe: {  	_ =	sfence.sel $0xFFFF  }
0xbf: {  	[dreg:$0x0] =	wrdreg $0xFFFFFFFF;
	(pc) =	sbr.abs _section_cstart, $3  }
0xc0: {  	[dreg:$0x1] =	wrdreg $0xFFFFFFFF  }
0xc1: {  	_ =	task.clear_ibuf [dreg:s7], $0x2FFFF;
	_ =	strace $0x9FFFFFFF  }
0xc2: {  	(tm) =	ssettm $0x7FFFFFFF  }
0xc3: {  	_ =	shalt  }
tec
execute0_lowered:
.L_overlay_start_1:
0x0: {  	(tag) =	ssettag $0x1  }
0x1: {  	s1 =	srdreg.scid;
	s0 =	stileid.u32  }
0x2: {  	s1 =	sand.u32 $0x1, s1;
	s2 =	smul.u32 $0xC800, s0  }
0x3: {  	s3 =	smul.u32 $0x6400, s1  }
0x4: {  	s4 =	rddreg [dreg:$0x0]  }
0x5: {  	s5 =	rddreg [dreg:$0x1];
	v0 =	vlaneseq.u32;
	s3 =	sadd.s32 s3, s2;
	s2 =	simm.s32 $0x0  }
0x6: {  	s12 =	simm.s32 $0x200;
	s14 =	simm.s32 $0x460;
	v0 =	vmul.u32 $0x3, v0;
	[smem:$0x7FF] =	sst s2  }
0x7: {  	s15 =	simm.s32 $0x1600;
	_ =	strace $0x80000047;
	[dreg:$0x5] =	wrdreg s12  }
0x8: {  	s16 =	simm.s32 $0x4C0;
	s18 =	simm.s32 $0x2200;
	v5 =	vadd.s32 $0x30, v0;
	v15 =	vadd.s32 $0x31, v0;
	v9 =	vadd.s32 $0x32, v0;
	[dreg:$0x6] =	wrdreg s14  }
0x9: {  	s20 =	simm.s32 $0x520;
	s21 =	simm.s32 $0x2E00;
	v8 =	vadd.s32 $0x60, v0;
	v18 =	vadd.s32 $0x61, v0;
	v10 =	vadd.s32 $0x62, v0;
	[dreg:$0x7] =	wrdreg s15  }
0xa: {  	s22 =	simm.s32 $0x580;
	s19 =	smul.u32 $0x96000, s0;
	v11 =	vadd.s32 $0x90, v0;
	v21 =	vadd.s32 $0x91, v0;
	v13 =	vadd.s32 $0x92, v0;
	[dreg:$0x8] =	wrdreg s16  }
0xb: {  	s13 =	ssub.s32 $0x2, s1;
	s1 =	smul.u32 $0x4B000, s1;
	v14 =	vor.u32 $0xC0, v0;
	v24 =	vadd.s32 $0xC1, v0;
	v16 =	vadd.s32 $0xC2, v0;
	[dreg:$0x9] =	wrdreg s18  }
0xc: {  	s24 =	simm.s32 $0x3A00;
	v17 =	vadd.s32 $0xF0, v0;
	v27 =	vadd.s32 $0xF1, v0;
	v19 =	vadd.s32 $0xF2, v0;
	s5 =	sadd.s32 s19, s5;
	[dreg:$0xa] =	wrdreg s20  }
0xd: {  	s25 =	simm.s32 $0x5E0;
	v20 =	vadd.s32 $0x120, v0;
	v30 =	vadd.s32 $0x121, v0;
	v22 =	vadd.s32 $0x122, v0;
	s23 =	sadd.s32 s1, s5;
	[dreg:$0xb] =	wrdreg s21  }
0xe: {  	s26 =	simm.s32 $0x4600;
	s8 =	simm.s32 $0x60;
	v23 =	vadd.s32 $0x150, v0;
	v33 =	vadd.s32 $0x151, v0;
	v25 =	vadd.s32 $0x152, v0;
	[dreg:$0x13] =	wrdreg s23  }
0xf: {  	s30 =	simm.s32 $0x640;
	s9 =	simm.s32 $0xA00;
	v26 =	vor.u32 $0x180, v0;
	v36 =	vadd.s32 $0x181, v0;
	v28 =	vadd.s32 $0x182, v0;
	[dreg:$0xc] =	wrdreg s22  }
0x10: {  	s31 =	simm.s32 $0x5200;
	s10 =	simm.s32 $0x6A0;
	v29 =	vadd.s32 $0x1B0, v0;
	v39 =	vadd.s32 $0x1B1, v0;
	v31 =	vadd.s32 $0x1B2, v0;
	[dreg:$0xd] =	wrdreg s24  }
0x11: {  	s28 =	simm.s32 $0xBE00;
	s29 =	simm.s32 $0x1;
	v32 =	vadd.s32 $0x1E0, v0;
	v42 =	vadd.s32 $0x1E1, v0;
	v34 =	vadd.s32 $0x1E2, v0;
	[dreg:$0xe] =	wrdreg s25  }
0x12: {  	s7 =	sshrl.u32 s13, $0x1;
	v35 =	vadd.s32 $0x210, v0;
	v49 =	vadd.s32 $0x211, v0;
	v37 =	vadd.s32 $0x212, v0;
	s19 =	simm.s32 $0x8E00;
	[dreg:$0xf] =	wrdreg s26  }
0x13: {  	v38 =	vor.u32 $0x240, v0;
	v3 =	vadd.s32 $0x241, v0;
	v40 =	vadd.s32 $0x242, v0;
	s1 =	simm.s32 $0x0;
	s3 =	sshrl.u32 s3, $0x3;
	[dreg:$0x10] =	wrdreg s30  }
0x14: {  	v41 =	vadd.s32 $0x270, v0;
	v4 =	vadd.s32 $0x271, v0;
	v1 =	vadd.s32 $0x272, v0;
	s3 =	sadd.s32 s3, s4;
	[dreg:$0x11] =	wrdreg s31;
	s12 =	simm.s32 $0x700  }
0x15: {  	v44 =	vadd.s32 $0x2A0, v0;
	v45 =	vadd.s32 $0x2A1, v0;
	v47 =	vadd.s32 $0x2D0, v0;
	s14 =	simm.s32 $0x760;
	s15 =	simm.s32 $0x7600;
	s16 =	simm.s32 $0x7C0  }
0x16: {  	v48 =	vadd.s32 $0x2D1, v0;
	v50 =	vor.u32 $0x300, v0;
	v51 =	vadd.s32 $0x301, v0;
	s18 =	simm.s32 $0x820;
	s20 =	simm.s32 $0x880;
	s21 =	simm.s32 $0x9A00  }
0x17: {  	v12 =	vadd.s32 $0x1, v0;
	v52 =	vadd.s32 $0x302, v0;
	v60 =	vadd.s32 $0x391, v0;
	[tilespmem:$0x1FFA0] =	vst v1;
	s22 =	simm.s32 $0x8E0;
	s23 =	simm.s32 $0xA600;
	s24 =	simm.s32 $0x940  }
0x18: {  	v7 =	vadd.s32 $0x2, v0;
	v53 =	vadd.s32 $0x330, v0;
	v57 =	vadd.s32 $0x361, v0;
	s25 =	simm.s32 $0xB200;
	s26 =	simm.s32 $0x9A0;
	[tilespmem:$0x1FFD0] =	vst v60;
	s6 =	sadd.s32 $0x1CC00, s3  }
0x19: {  	v54 =	vadd.s32 $0x331, v0;
	v55 =	vadd.s32 $0x332, v0;
	v56 =	vadd.s32 $0x360, v0;
	[tilespmem:$0x1FFE0] =	vst v57;
	s11 =	sadd.s32 $0x3C00, s3;
	s3 =	sadd.s32 $0xC00, s4;
	[dreg:$0x3] =	wrdreg s6  }
0x1a: {  	v58 =	vadd.s32 $0x362, v0;
	v46 =	vadd.s32 $0x390, v0;
	v1 =	vadd.s32 $0x2A2, v0;
	[tilespmem:$0x1FFF0] =	vst v54;
	[dreg:$0x4] =	wrdreg s11;
	s6 =	ssub.s32 s13, s7;
	s7 =	simm.s32 $0x400  }
0x1b: {  	v61 =	vadd.s32 $0x392, v0;
	v62 =	vor.u32 $0x3C0, v0;
	[tilespmem:$0x1FFB0] =	vst v1;
	v1 =	vadd.s32 $0x2D2, v0;
	s11 =	simm.s32 $0x5E00;
	s13 =	simm.s32 $0x6A00;
	s17 =	smax.u32 s6, $0x1  }
0x1c: {  	v6 =	vadd.s32 $0x3C1, v0;
	v63 =	vadd.s32 $0x3C2, v0;
	v43 =	vadd.s32 $0x3F0, v0;
	[tilespmem:$0x1FFC0] =	vst v1;
	s6 =	simm.s32 $0x2;
	[dreg:$0x12] =	wrdreg s17;
	s17 =	simm.s32 $0x8200  }
.LBB2_1:
0x1d: {  	[dreg:$0x14] =	wrdreg s1  }
0x1e: {  	s31 =	rddreg [dreg:$0x13];
	s1 =	simm.s32 $0x0  }
.LBB2_2:
0x1f: {  	s0 =	rddreg [dreg:$0x4]  }
0x20: {  	s0 =	sadd.s32 s1, s0  }
0x21: {  	[tilespmem:s2], [sflag:$0x2] =	stream.linear.gather [hbm4b:s0+s2], $0x200, $0x38;
	[tilespmem:$0xCA00] =	vst v63  }
0x22: {  	_ =	swait.ge [sflag:s6], $0x200  }
0x23: {  	s30 =	rddreg [dreg:$0x3];
	[sflag:s6] =	ssyncset.done $0x0  }
0x24: {  	s4 =	rddreg [dreg:$0x5];
	[sflag:s6] =	ssyncadd.s32 $0xFFFFFE00;
	s0 =	sadd.s32 s1, s30  }
0x25: {  	[tilespmem:s4], [sflag:$0x2] =	stream.linear.gather [hbm4b:s0+s2], $0x200, $0x38;
	[tilespmem:$0xCA00] =	vst v63  }
0x26: {  	_ =	swait.ge [sflag:s6], $0x200  }
0x27: {  	[sflag:s6] =	ssyncset.done $0x0  }
0x28: {  	[sflag:s6] =	ssyncadd.s32 $0xFFFFFE00  }
0x29: {  	v1 =	vld [tilespmem:$0x0];
	_ =	sdelay $0x1  }
0x2a: {  	v2 =	vld [tilespmem:$0x200];
	_ =	sdelay $0x2  }
0x2b: {  	v1 =	vshll.u32 v1, $0x1  }
0x2c: {  	[tilespmem:v0+s7+$0x0] =	vst.idx.msk $0xffff, v1;
	v1 =	vor.u32 $0x1, v1  }
0x2d: {  	[tilespmem:v12+s7+$0x0] =	vst.idx.msk $0xffff, v1;
	v1 =	vadd.s32 $0x7D0, v2  }
0x2e: {  	[tilespmem:v7+s7+$0x0] =	vst.idx.msk $0xffff, v1  }
0x2f: {  	v1 =	vld [tilespmem:$0x10];
	_ =	sdelay $0x1  }
0x30: {  	v2 =	vld [tilespmem:$0x210];
	_ =	sdelay $0x2  }
0x31: {  	v1 =	vshll.u32 v1, $0x1  }
0x32: {  	[tilespmem:v5+s7+$0x0] =	vst.idx.msk $0xffff, v1;
	v1 =	vor.u32 $0x1, v1  }
0x33: {  	[tilespmem:v15+s7+$0x0] =	vst.idx.msk $0xffff, v1;
	v1 =	vadd.s32 $0x7D0, v2  }
0x34: {  	[tilespmem:v9+s7+$0x0] =	vst.idx.msk $0xffff, v1  }
0x35: {  	v1 =	vld [tilespmem:$0x20];
	_ =	sdelay $0x1  }
0x36: {  	v2 =	vld [tilespmem:$0x220];
	_ =	sdelay $0x2  }
0x37: {  	v1 =	vshll.u32 v1, $0x1  }
0x38: {  	[tilespmem:v8+s7+$0x0] =	vst.idx.msk $0xffff, v1;
	v1 =	vor.u32 $0x1, v1  }
0x39: {  	[tilespmem:v18+s7+$0x0] =	vst.idx.msk $0xffff, v1;
	v1 =	vadd.s32 $0x7D0, v2  }
0x3a: {  	[tilespmem:v10+s7+$0x0] =	vst.idx.msk $0xffff, v1  }
0x3b: {  	v1 =	vld [tilespmem:$0x30];
	_ =	sdelay $0x1  }
0x3c: {  	v2 =	vld [tilespmem:$0x230];
	_ =	sdelay $0x2  }
0x3d: {  	v1 =	vshll.u32 v1, $0x1  }
0x3e: {  	[tilespmem:v11+s7+$0x0] =	vst.idx.msk $0xffff, v1;
	v1 =	vor.u32 $0x1, v1  }
0x3f: {  	[tilespmem:v21+s7+$0x0] =	vst.idx.msk $0xffff, v1;
	v1 =	vadd.s32 $0x7D0, v2  }
0x40: {  	[tilespmem:v13+s7+$0x0] =	vst.idx.msk $0xffff, v1  }
0x41: {  	v1 =	vld [tilespmem:$0x40];
	_ =	sdelay $0x1  }
0x42: {  	v2 =	vld [tilespmem:$0x240];
	_ =	sdelay $0x2  }
0x43: {  	v1 =	vshll.u32 v1, $0x1  }
0x44: {  	[tilespmem:v14+s7+$0x0] =	vst.idx.msk $0xffff, v1;
	v1 =	vor.u32 $0x1, v1  }
0x45: {  	[tilespmem:v24+s7+$0x0] =	vst.idx.msk $0xffff, v1;
	v1 =	vadd.s32 $0x7D0, v2  }
0x46: {  	[tilespmem:v16+s7+$0x0] =	vst.idx.msk $0xffff, v1  }
0x47: {  	v1 =	vld [tilespmem:$0x50];
	_ =	sdelay $0x1  }
0x48: {  	v2 =	vld [tilespmem:$0x250];
	_ =	sdelay $0x2  }
0x49: {  	v1 =	vshll.u32 v1, $0x1  }
0x4a: {  	[tilespmem:v17+s7+$0x0] =	vst.idx.msk $0xffff, v1;
	v1 =	vor.u32 $0x1, v1  }
0x4b: {  	[tilespmem:v27+s7+$0x0] =	vst.idx.msk $0xffff, v1;
	v1 =	vadd.s32 $0x7D0, v2  }
0x4c: {  	[tilespmem:v19+s7+$0x0] =	vst.idx.msk $0xffff, v1  }
0x4d: {  	v1 =	vld [tilespmem:$0x60];
	_ =	sdelay $0x1  }
0x4e: {  	v2 =	vld [tilespmem:$0x260];
	_ =	sdelay $0x2  }
0x4f: {  	v1 =	vshll.u32 v1, $0x1  }
0x50: {  	[tilespmem:v20+s7+$0x0] =	vst.idx.msk $0xffff, v1;
	v1 =	vor.u32 $0x1, v1  }
0x51: {  	[tilespmem:v30+s7+$0x0] =	vst.idx.msk $0xffff, v1;
	v1 =	vadd.s32 $0x7D0, v2  }
0x52: {  	[tilespmem:v22+s7+$0x0] =	vst.idx.msk $0xffff, v1  }
0x53: {  	v1 =	vld [tilespmem:$0x70];
	_ =	sdelay $0x1  }
0x54: {  	v2 =	vld [tilespmem:$0x270];
	_ =	sdelay $0x2  }
0x55: {  	v1 =	vshll.u32 v1, $0x1  }
0x56: {  	[tilespmem:v23+s7+$0x0] =	vst.idx.msk $0xffff, v1;
	v1 =	vor.u32 $0x1, v1  }
0x57: {  	[tilespmem:v33+s7+$0x0] =	vst.idx.msk $0xffff, v1;
	v1 =	vadd.s32 $0x7D0, v2  }
0x58: {  	[tilespmem:v25+s7+$0x0] =	vst.idx.msk $0xffff, v1  }
0x59: {  	v1 =	vld [tilespmem:$0x80];
	_ =	sdelay $0x1  }
0x5a: {  	v2 =	vld [tilespmem:$0x280];
	_ =	sdelay $0x2  }
0x5b: {  	v1 =	vshll.u32 v1, $0x1  }
0x5c: {  	[tilespmem:v26+s7+$0x0] =	vst.idx.msk $0xffff, v1;
	v1 =	vor.u32 $0x1, v1  }
0x5d: {  	[tilespmem:v36+s7+$0x0] =	vst.idx.msk $0xffff, v1;
	v1 =	vadd.s32 $0x7D0, v2  }
0x5e: {  	[tilespmem:v28+s7+$0x0] =	vst.idx.msk $0xffff, v1  }
0x5f: {  	v1 =	vld [tilespmem:$0x90];
	_ =	sdelay $0x1  }
0x60: {  	v2 =	vld [tilespmem:$0x290];
	_ =	sdelay $0x2  }
0x61: {  	v1 =	vshll.u32 v1, $0x1  }
0x62: {  	[tilespmem:v29+s7+$0x0] =	vst.idx.msk $0xffff, v1;
	v1 =	vor.u32 $0x1, v1  }
0x63: {  	[tilespmem:v39+s7+$0x0] =	vst.idx.msk $0xffff, v1;
	v1 =	vadd.s32 $0x7D0, v2  }
0x64: {  	[tilespmem:v31+s7+$0x0] =	vst.idx.msk $0xffff, v1  }
0x65: {  	v1 =	vld [tilespmem:$0xA0];
	_ =	sdelay $0x1  }
0x66: {  	v2 =	vld [tilespmem:$0x2A0];
	_ =	sdelay $0x2  }
0x67: {  	v1 =	vshll.u32 v1, $0x1  }
0x68: {  	[tilespmem:v32+s7+$0x0] =	vst.idx.msk $0xffff, v1;
	v1 =	vor.u32 $0x1, v1  }
0x69: {  	[tilespmem:v42+s7+$0x0] =	vst.idx.msk $0xffff, v1;
	v1 =	vadd.s32 $0x7D0, v2  }
0x6a: {  	[tilespmem:v34+s7+$0x0] =	vst.idx.msk $0xffff, v1  }
0x6b: {  	v1 =	vld [tilespmem:$0xB0];
	_ =	sdelay $0x1  }
0x6c: {  	v2 =	vld [tilespmem:$0x2B0];
	_ =	sdelay $0x2  }
0x6d: {  	v1 =	vshll.u32 v1, $0x1  }
0x6e: {  	[tilespmem:v35+s7+$0x0] =	vst.idx.msk $0xffff, v1;
	v1 =	vor.u32 $0x1, v1  }
0x6f: {  	[tilespmem:v49+s7+$0x0] =	vst.idx.msk $0xffff, v1;
	v1 =	vadd.s32 $0x7D0, v2  }
0x70: {  	[tilespmem:v37+s7+$0x0] =	vst.idx.msk $0xffff, v1  }
0x71: {  	v1 =	vld [tilespmem:$0xC0];
	_ =	sdelay $0x1  }
0x72: {  	v2 =	vld [tilespmem:$0x2C0];
	_ =	sdelay $0x2  }
0x73: {  	v1 =	vshll.u32 v1, $0x1  }
0x74: {  	[tilespmem:v38+s7+$0x0] =	vst.idx.msk $0xffff, v1;
	v1 =	vor.u32 $0x1, v1  }
0x75: {  	[tilespmem:v3+s7+$0x0] =	vst.idx.msk $0xffff, v1;
	v1 =	vadd.s32 $0x7D0, v2  }
0x76: {  	[tilespmem:v40+s7+$0x0] =	vst.idx.msk $0xffff, v1  }
0x77: {  	v1 =	vld [tilespmem:$0xD0];
	_ =	sdelay $0x1  }
0x78: {  	v2 =	vld [tilespmem:$0x2D0];
	_ =	sdelay $0x2  }
0x79: {  	v1 =	vshll.u32 v1, $0x1  }
0x7a: {  	[tilespmem:v41+s7+$0x0] =	vst.idx.msk $0xffff, v1;
	v1 =	vor.u32 $0x1, v1  }
0x7b: {  	[tilespmem:v4+s7+$0x0] =	vst.idx.msk $0xffff, v1;
	v1 =	vadd.s32 $0x7D0, v2;
	v2 =	vld [tilespmem:$0x1FFA0];
	_ =	sdelay $0x7  }
0x7c: {  	[tilespmem:v2+s7+$0x0] =	vst.idx.msk $0xffff, v1  }
0x7d: {  	v1 =	vld [tilespmem:$0xE0];
	_ =	sdelay $0x1  }
0x7e: {  	v2 =	vld [tilespmem:$0x2E0];
	_ =	sdelay $0x2  }
0x7f: {  	v1 =	vshll.u32 v1, $0x1  }
0x80: {  	[tilespmem:v44+s7+$0x0] =	vst.idx.msk $0xffff, v1;
	v1 =	vor.u32 $0x1, v1  }
0x81: {  	[tilespmem:v45+s7+$0x0] =	vst.idx.msk $0xffff, v1;
	v1 =	vadd.s32 $0x7D0, v2;
	v2 =	vld [tilespmem:$0x1FFB0];
	_ =	sdelay $0x7  }
0x82: {  	[tilespmem:v2+s7+$0x0] =	vst.idx.msk $0xffff, v1  }
0x83: {  	v1 =	vld [tilespmem:$0xF0];
	_ =	sdelay $0x1  }
0x84: {  	v2 =	vld [tilespmem:$0x2F0];
	_ =	sdelay $0x2  }
0x85: {  	v1 =	vshll.u32 v1, $0x1  }
0x86: {  	[tilespmem:v47+s7+$0x0] =	vst.idx.msk $0xffff, v1;
	v1 =	vor.u32 $0x1, v1  }
0x87: {  	[tilespmem:v48+s7+$0x0] =	vst.idx.msk $0xffff, v1;
	v1 =	vadd.s32 $0x7D0, v2;
	v2 =	vld [tilespmem:$0x1FFC0];
	_ =	sdelay $0x7  }
0x88: {  	[tilespmem:v2+s7+$0x0] =	vst.idx.msk $0xffff, v1  }
0x89: {  	v1 =	vld [tilespmem:$0x100];
	_ =	sdelay $0x1  }
0x8a: {  	v2 =	vld [tilespmem:$0x300];
	_ =	sdelay $0x2  }
0x8b: {  	v1 =	vshll.u32 v1, $0x1  }
0x8c: {  	[tilespmem:v50+s7+$0x0] =	vst.idx.msk $0xffff, v1;
	v1 =	vor.u32 $0x1, v1  }
0x8d: {  	[tilespmem:v51+s7+$0x0] =	vst.idx.msk $0xffff, v1;
	v1 =	vadd.s32 $0x7D0, v2  }
0x8e: {  	[tilespmem:v52+s7+$0x0] =	vst.idx.msk $0xffff, v1  }
0x8f: {  	v1 =	vld [tilespmem:$0x110];
	_ =	sdelay $0x1  }
0x90: {  	v2 =	vld [tilespmem:$0x310];
	_ =	sdelay $0x2  }
0x91: {  	v1 =	vshll.u32 v1, $0x1  }
0x92: {  	[tilespmem:v53+s7+$0x0] =	vst.idx.msk $0xffff, v1;
	v1 =	vor.u32 $0x1, v1  }
0x93: {  	[tilespmem:v54+s7+$0x0] =	vst.idx.msk $0xffff, v1;
	v1 =	vadd.s32 $0x7D0, v2  }
0x94: {  	[tilespmem:v55+s7+$0x0] =	vst.idx.msk $0xffff, v1  }
0x95: {  	v1 =	vld [tilespmem:$0x120];
	_ =	sdelay $0x1  }
0x96: {  	v2 =	vld [tilespmem:$0x320];
	_ =	sdelay $0x2  }
0x97: {  	v1 =	vshll.u32 v1, $0x1  }
0x98: {  	[tilespmem:v56+s7+$0x0] =	vst.idx.msk $0xffff, v1;
	v1 =	vor.u32 $0x1, v1  }
0x99: {  	[tilespmem:v57+s7+$0x0] =	vst.idx.msk $0xffff, v1;
	v1 =	vadd.s32 $0x7D0, v2  }
0x9a: {  	[tilespmem:v58+s7+$0x0] =	vst.idx.msk $0xffff, v1  }
0x9b: {  	v1 =	vld [tilespmem:$0x130];
	_ =	sdelay $0x1  }
0x9c: {  	v2 =	vld [tilespmem:$0x330];
	_ =	sdelay $0x2  }
0x9d: {  	v1 =	vshll.u32 v1, $0x1  }
0x9e: {  	[tilespmem:v46+s7+$0x0] =	vst.idx.msk $0xffff, v1;
	v1 =	vor.u32 $0x1, v1  }
0x9f: {  	[tilespmem:v60+s7+$0x0] =	vst.idx.msk $0xffff, v1;
	v1 =	vadd.s32 $0x7D0, v2  }
0xa0: {  	[tilespmem:v61+s7+$0x0] =	vst.idx.msk $0xffff, v1  }
0xa1: {  	v1 =	vld [tilespmem:$0x140];
	_ =	sdelay $0x1  }
0xa2: {  	v2 =	vld [tilespmem:$0x340];
	_ =	sdelay $0x2  }
0xa3: {  	v1 =	vshll.u32 v1, $0x1  }
0xa4: {  	[tilespmem:v62+s7+$0x0] =	vst.idx.msk $0xffff, v1;
	v1 =	vor.u32 $0x1, v1  }
0xa5: {  	[tilespmem:v6+s7+$0x0] =	vst.idx.msk $0xffff, v1;
	v1 =	vadd.s32 $0x7D0, v2  }
0xa6: {  	[tilespmem:v63+s7+$0x0] =	vst.idx.msk $0xffff, v1  }
0xa7: {  	v1 =	vld [tilespmem:$0x150];
	_ =	sdelay $0x1  }
0xa8: {  	v57 =	vmov v48;
	v48 =	vmov v3;
	v3 =	vadd.s32 $0x3F1, v0;
	v2 =	vld [tilespmem:$0x350]  }
0xa9: {  	v60 =	vmov v51;
	v51 =	vmov v4;
	v4 =	vadd.s32 $0x3F2, v0;
	_ =	sdelay $0x1  }
0xaa: {  	v1 =	vshll.u32 v1, $0x1  }
0xab: {  	[tilespmem:v43+s7+$0x0] =	vst.idx.msk $0xffff, v1;
	v1 =	vor.u32 $0x1, v1  }
0xac: {  	[tilespmem:v3+s7+$0x0] =	vst.idx.msk $0xffff, v1;
	v1 =	vadd.s32 $0x7D0, v2  }
0xad: {  	[tilespmem:v4+s7+$0x0] =	vst.idx.msk $0xffff, v1  }
0xae: {  	v1 =	vld [tilespmem:$0x160]  }
0xaf: {  	v59 =	vmovc v53;
	v53 =	vmovc v47;
	v47 =	vmov v41;
	v41 =	vmov v35;
	v2 =	vadd.s32 $0x420, v0  }
0xb0: {  	v35 =	vmovc v29;
	v29 =	vmovc v23;
	v23 =	vmov v20;
	v20 =	vmov v17;
	v4 =	vadd.s32 $0x421, v0;
	v3 =	vld [tilespmem:$0x360]  }
0xb1: {  	v17 =	vmovc v14;
	v14 =	vmovc v11;
	v11 =	vmov v8;
	v8 =	vmov v5;
	v5 =	vadd.s32 $0x422, v0;
	_ =	sdelay $0x1  }
0xb2: {  	v1 =	vshll.u32 v1, $0x1  }
0xb3: {  	[tilespmem:v2+s7+$0x0] =	vst.idx.msk $0xffff, v1;
	v1 =	vor.u32 $0x1, v1  }
0xb4: {  	[tilespmem:v4+s7+$0x0] =	vst.idx.msk $0xffff, v1;
	v1 =	vadd.s32 $0x7D0, v3  }
0xb5: {  	[tilespmem:v5+s7+$0x0] =	vst.idx.msk $0xffff, v1  }
0xb6: {  	v1 =	vld [tilespmem:$0x170]  }
0xb7: {  	v2 =	vadd.s32 $0x450, v0  }
0xb8: {  	v4 =	vadd.s32 $0x451, v0;
	v3 =	vld [tilespmem:$0x370]  }
0xb9: {  	v5 =	vadd.s32 $0x452, v0;
	_ =	sdelay $0x1  }
0xba: {  	v1 =	vshll.u32 v1, $0x1  }
0xbb: {  	[tilespmem:v2+s7+$0x0] =	vst.idx.msk $0xffff, v1;
	v1 =	vor.u32 $0x1, v1  }
0xbc: {  	[tilespmem:v4+s7+$0x0] =	vst.idx.msk $0xffff, v1;
	v1 =	vadd.s32 $0x7D0, v3  }
0xbd: {  	[tilespmem:v5+s7+$0x0] =	vst.idx.msk $0xffff, v1  }
0xbe: {  	v1 =	vld [tilespmem:$0x180]  }
0xbf: {  	v2 =	vor.u32 $0x480, v0  }
0xc0: {  	v4 =	vadd.s32 $0x481, v0;
	v3 =	vld [tilespmem:$0x380]  }
0xc1: {  	v5 =	vadd.s32 $0x482, v0;
	_ =	sdelay $0x1  }
0xc2: {  	v1 =	vshll.u32 v1, $0x1  }
0xc3: {  	[tilespmem:v2+s7+$0x0] =	vst.idx.msk $0xffff, v1;
	v1 =	vor.u32 $0x1, v1  }
0xc4: {  	[tilespmem:v4+s7+$0x0] =	vst.idx.msk $0xffff, v1;
	v1 =	vadd.s32 $0x7D0, v3  }
0xc5: {  	[tilespmem:v5+s7+$0x0] =	vst.idx.msk $0xffff, v1  }
0xc6: {  	v1 =	vld [tilespmem:$0x190]  }
0xc7: {  	v2 =	vadd.s32 $0x4B0, v0  }
0xc8: {  	v4 =	vadd.s32 $0x4B1, v0;
	v3 =	vld [tilespmem:$0x390]  }
0xc9: {  	v5 =	vadd.s32 $0x4B2, v0;
	_ =	sdelay $0x1  }
0xca: {  	v1 =	vshll.u32 v1, $0x1  }
0xcb: {  	[tilespmem:v2+s7+$0x0] =	vst.idx.msk $0xffff, v1;
	v1 =	vor.u32 $0x1, v1  }
0xcc: {  	[tilespmem:v4+s7+$0x0] =	vst.idx.msk $0xffff, v1;
	v1 =	vadd.s32 $0x7D0, v3  }
0xcd: {  	[tilespmem:v5+s7+$0x0] =	vst.idx.msk $0xffff, v1  }
0xce: {  	v1 =	vld [tilespmem:$0x1A0]  }
0xcf: {  	v2 =	vadd.s32 $0x4E0, v0  }
0xd0: {  	v4 =	vadd.s32 $0x4E1, v0;
	v3 =	vld [tilespmem:$0x3A0]  }
0xd1: {  	v5 =	vadd.s32 $0x4E2, v0;
	_ =	sdelay $0x1  }
0xd2: {  	v1 =	vshll.u32 v1, $0x1  }
0xd3: {  	[tilespmem:v2+s7+$0x0] =	vst.idx.msk $0xffff, v1;
	v1 =	vor.u32 $0x1, v1  }
0xd4: {  	[tilespmem:v4+s7+$0x0] =	vst.idx.msk $0xffff, v1;
	v1 =	vadd.s32 $0x7D0, v3  }
0xd5: {  	[tilespmem:v5+s7+$0x0] =	vst.idx.msk $0xffff, v1  }
0xd6: {  	v1 =	vld [tilespmem:$0x1B0]  }
0xd7: {  	v2 =	vadd.s32 $0x510, v0  }
0xd8: {  	v4 =	vadd.s32 $0x511, v0;
	v3 =	vld [tilespmem:$0x3B0]  }
0xd9: {  	v5 =	vadd.s32 $0x512, v0;
	_ =	sdelay $0x1  }
0xda: {  	v1 =	vshll.u32 v1, $0x1  }
0xdb: {  	[tilespmem:v2+s7+$0x0] =	vst.idx.msk $0xffff, v1;
	v1 =	vor.u32 $0x1, v1  }
0xdc: {  	[tilespmem:v4+s7+$0x0] =	vst.idx.msk $0xffff, v1;
	v1 =	vadd.s32 $0x7D0, v3  }
0xdd: {  	[tilespmem:v5+s7+$0x0] =	vst.idx.msk $0xffff, v1  }
0xde: {  	v1 =	vld [tilespmem:$0x1C0]  }
0xdf: {  	v2 =	vor.u32 $0x540, v0  }
0xe0: {  	v4 =	vadd.s32 $0x541, v0;
	v3 =	vld [tilespmem:$0x3C0]  }
0xe1: {  	v5 =	vadd.s32 $0x542, v0;
	_ =	sdelay $0x1  }
0xe2: {  	v1 =	vshll.u32 v1, $0x1  }
0xe3: {  	[tilespmem:v2+s7+$0x0] =	vst.idx.msk $0xffff, v1;
	v1 =	vor.u32 $0x1, v1  }
0xe4: {  	[tilespmem:v4+s7+$0x0] =	vst.idx.msk $0xffff, v1;
	v1 =	vadd.s32 $0x7D0, v3  }
0xe5: {  	[tilespmem:v5+s7+$0x0] =	vst.idx.msk $0xffff, v1  }
0xe6: {  	v1 =	vld [tilespmem:$0x1D0]  }
0xe7: {  	v2 =	vadd.s32 $0x570, v0  }
0xe8: {  	v4 =	vadd.s32 $0x571, v0;
	v3 =	vld [tilespmem:$0x3D0]  }
0xe9: {  	v5 =	vadd.s32 $0x572, v0;
	_ =	sdelay $0x1  }
0xea: {  	v1 =	vshll.u32 v1, $0x1  }
0xeb: {  	[tilespmem:v2+s7+$0x0] =	vst.idx.msk $0xffff, v1;
	v1 =	vor.u32 $0x1, v1  }
0xec: {  	[tilespmem:v4+s7+$0x0] =	vst.idx.msk $0xffff, v1;
	v1 =	vadd.s32 $0x7D0, v3  }
0xed: {  	[tilespmem:v5+s7+$0x0] =	vst.idx.msk $0xffff, v1  }
0xee: {  	v1 =	vld [tilespmem:$0x1E0]  }
0xef: {  	v2 =	vadd.s32 $0x5A0, v0  }
0xf0: {  	v4 =	vadd.s32 $0x5A1, v0;
	v3 =	vld [tilespmem:$0x3E0]  }
0xf1: {  	v5 =	vadd.s32 $0x5A2, v0;
	_ =	sdelay $0x1  }
0xf2: {  	v1 =	vshll.u32 v1, $0x1  }
0xf3: {  	[tilespmem:v2+s7+$0x0] =	vst.idx.msk $0xffff, v1;
	v1 =	vor.u32 $0x1, v1  }
0xf4: {  	[tilespmem:v4+s7+$0x0] =	vst.idx.msk $0xffff, v1;
	v1 =	vadd.s32 $0x7D0, v3  }
0xf5: {  	[tilespmem:v5+s7+$0x0] =	vst.idx.msk $0xffff, v1  }
0xf6: {  	v1 =	vld [tilespmem:$0x1F0]  }
0xf7: {  	v2 =	vadd.s32 $0x5D0, v0  }
0xf8: {  	v4 =	vadd.s32 $0x5D1, v0;
	v3 =	vld [tilespmem:$0x3F0]  }
0xf9: {  	v5 =	vadd.s32 $0x5D2, v0;
	_ =	sdelay $0x1  }
0xfa: {  	v1 =	vshll.u32 v1, $0x1  }
0xfb: {  	s0 =	rddreg [dreg:$0x6];
	[tilespmem:v2+s7+$0x0] =	vst.idx.msk $0xffff, v1;
	v1 =	vor.u32 $0x1, v1  }
0xfc: {  	s4 =	rddreg [dreg:$0x7];
	[tilespmem:v4+s7+$0x0] =	vst.idx.msk $0xffff, v1;
	v1 =	vadd.s32 $0x7D0, v3  }
0xfd: {  	s5 =	rddreg [dreg:$0x8];
	[tilespmem:v5+s7+$0x0] =	vst.idx.msk $0xffff, v1  }
0xfe: {  	[tilespmem:s9], [sflag:$0x1] =	stream.indirect.gather [hbm4b:s3+s8], $0x20, s7, s8, $0xb8;
	[tilespmem:$0xCA00] =	vst v63  }
0xff: {  	s30 =	rddreg [dreg:$0x9]  }
0x100: {  	[tilespmem:s4], [sflag:$0x1] =	stream.indirect.gather [hbm4b:s3+s8], $0x20, s0, s8, $0xb8;
	[tilespmem:$0xCA00] =	vst v63  }
0x101: {  	s0 =	rddreg [dreg:$0xa]  }
0x102: {  	s4 =	rddreg [dreg:$0xb]  }
0x103: {  	[tilespmem:s30], [sflag:$0x1] =	stream.indirect.gather [hbm4b:s3+s8], $0x20, s5, s8, $0xb8;
	[tilespmem:$0xCA00] =	vst v63  }
0x104: {  	s5 =	rddreg [dreg:$0xc]  }
0x105: {  	s30 =	rddreg [dreg:$0xd]  }
0x106: {  	[tilespmem:s4], [sflag:$0x1] =	stream.indirect.gather [hbm4b:s3+s8], $0x20, s0, s8, $0xb8;
	[tilespmem:$0xCA00] =	vst v63  }
0x107: {  	s0 =	rddreg [dreg:$0xe]  }
0x108: {  	s4 =	rddreg [dreg:$0xf]  }
0x109: {  	[tilespmem:s30], [sflag:$0x1] =	stream.indirect.gather [hbm4b:s3+s8], $0x20, s5, s8, $0xb8;
	[tilespmem:$0xCA00] =	vst v63  }
0x10a: {  	s5 =	rddreg [dreg:$0x10]  }
0x10b: {  	[tilespmem:s4], [sflag:$0x1] =	stream.indirect.gather [hbm4b:s3+s8], $0x20, s0, s8, $0xb8;
	[tilespmem:$0xCA00] =	vst v63  }
0x10c: {  	s30 =	rddreg [dreg:$0x11]  }
0x10d: {  	[tilespmem:s30], [sflag:$0x1] =	stream.indirect.gather [hbm4b:s3+s8], $0x20, s5, s8, $0xb8;
	[tilespmem:$0xCA00] =	vst v63  }
0x10e: {  	_ = 	snop  }
0x10f: {  	[tilespmem:s11], [sflag:$0x1] =	stream.indirect.gather [hbm4b:s3+s8], $0x20, s10, s8, $0xb8;
	[tilespmem:$0xCA00] =	vst v63  }
0x110: {  	_ = 	snop  }
0x111: {  	[tilespmem:s13], [sflag:$0x1] =	stream.indirect.gather [hbm4b:s3+s8], $0x20, s12, s8, $0xb8;
	[tilespmem:$0xCA00] =	vst v63  }
0x112: {  	_ = 	snop  }
0x113: {  	[tilespmem:s15], [sflag:$0x1] =	stream.indirect.gather [hbm4b:s3+s8], $0x20, s14, s8, $0xb8;
	[tilespmem:$0xCA00] =	vst v63  }
0x114: {  	_ = 	snop  }
0x115: {  	[tilespmem:s17], [sflag:$0x1] =	stream.indirect.gather [hbm4b:s3+s8], $0x20, s16, s8, $0xb8;
	[tilespmem:$0xCA00] =	vst v63  }
0x116: {  	_ = 	snop  }
0x117: {  	[tilespmem:s19], [sflag:$0x1] =	stream.indirect.gather [hbm4b:s3+s8], $0x20, s18, s8, $0xb8;
	[tilespmem:$0xCA00] =	vst v63  }
0x118: {  	_ = 	snop  }
0x119: {  	[tilespmem:s21], [sflag:$0x1] =	stream.indirect.gather [hbm4b:s3+s8], $0x20, s20, s8, $0xb8;
	[tilespmem:$0xCA00] =	vst v63  }
0x11a: {  	_ = 	snop  }
0x11b: {  	[tilespmem:s23], [sflag:$0x1] =	stream.indirect.gather [hbm4b:s3+s8], $0x20, s22, s8, $0xb8;
	[tilespmem:$0xCA00] =	vst v63  }
0x11c: {  	_ = 	snop  }
0x11d: {  	[tilespmem:s25], [sflag:$0x1] =	stream.indirect.gather [hbm4b:s3+s8], $0x20, s24, s8, $0xb8;
	[tilespmem:$0xCA00] =	vst v63  }
0x11e: {  	v54 =	vld [tilespmem:$0x1FFF0]  }
0x11f: {  	v3 =	vmov v48;
	v48 =	vmov v57;
	v57 =	vld [tilespmem:$0x1FFE0];
	[tilespmem:s28], [sflag:$0x1] =	stream.indirect.gather [hbm4b:s3+s8], $0x20, s26, s8, $0xb8  }
0x120: {  	v4 =	vmov v51;
	v51 =	vmov v60;
	v60 =	vld [tilespmem:$0x1FFD0];
	_ =	swait.ge [sflag:s29], $0xC00  }
0x121: {  	[sflag:s29] =	ssyncset.done $0x0  }
0x122: {  	[sflag:s29] =	ssyncadd.s32 $0xFFFFF400  }
0x123: {  	_ =	swait.ge [sflag:s29], $0xC00  }
0x124: {  	[sflag:s29] =	ssyncset.done $0x0  }
0x125: {  	[sflag:s29] =	ssyncadd.s32 $0xFFFFF400  }
0x126: {  	_ =	swait.ge [sflag:s29], $0xC00  }
0x127: {  	[sflag:s29] =	ssyncset.done $0x0  }
0x128: {  	[sflag:s29] =	ssyncadd.s32 $0xFFFFF400  }
0x129: {  	_ =	swait.ge [sflag:s29], $0xC00  }
0x12a: {  	[sflag:s29] =	ssyncset.done $0x0  }
0x12b: {  	[sflag:s29] =	ssyncadd.s32 $0xFFFFF400  }
0x12c: {  	_ =	swait.ge [sflag:s29], $0xC00  }
0x12d: {  	[sflag:s29] =	ssyncset.done $0x0  }
0x12e: {  	[sflag:s29] =	ssyncadd.s32 $0xFFFFF400  }
0x12f: {  	_ =	swait.ge [sflag:s29], $0xC00  }
0x130: {  	[sflag:s29] =	ssyncset.done $0x0  }
0x131: {  	[sflag:s29] =	ssyncadd.s32 $0xFFFFF400  }
0x132: {  	_ =	swait.ge [sflag:s29], $0xC00  }
0x133: {  	[sflag:s29] =	ssyncset.done $0x0  }
0x134: {  	[sflag:s29] =	ssyncadd.s32 $0xFFFFF400  }
0x135: {  	_ =	swait.ge [sflag:s29], $0xC00  }
0x136: {  	[sflag:s29] =	ssyncset.done $0x0  }
0x137: {  	[sflag:s29] =	ssyncadd.s32 $0xFFFFF400  }
0x138: {  	_ =	swait.ge [sflag:s29], $0xC00  }
0x139: {  	[sflag:s29] =	ssyncset.done $0x0  }
0x13a: {  	[sflag:s29] =	ssyncadd.s32 $0xFFFFF400  }
0x13b: {  	_ =	swait.ge [sflag:s29], $0xC00  }
0x13c: {  	[sflag:s29] =	ssyncset.done $0x0  }
0x13d: {  	[sflag:s29] =	ssyncadd.s32 $0xFFFFF400  }
0x13e: {  	_ =	swait.ge [sflag:s29], $0xC00  }
0x13f: {  	[sflag:s29] =	ssyncset.done $0x0  }
0x140: {  	[sflag:s29] =	ssyncadd.s32 $0xFFFFF400  }
0x141: {  	_ =	swait.ge [sflag:s29], $0xC00  }
0x142: {  	[sflag:s29] =	ssyncset.done $0x0  }
0x143: {  	[sflag:s29] =	ssyncadd.s32 $0xFFFFF400  }
0x144: {  	_ =	swait.ge [sflag:s29], $0xC00  }
0x145: {  	[sflag:s29] =	ssyncset.done $0x0  }
0x146: {  	[sflag:s29] =	ssyncadd.s32 $0xFFFFF400  }
0x147: {  	_ =	swait.ge [sflag:s29], $0xC00  }
0x148: {  	[sflag:s29] =	ssyncset.done $0x0  }
0x149: {  	[sflag:s29] =	ssyncadd.s32 $0xFFFFF400  }
0x14a: {  	_ =	swait.ge [sflag:s29], $0xC00  }
0x14b: {  	[sflag:s29] =	ssyncset.done $0x0  }
0x14c: {  	[sflag:s29] =	ssyncadd.s32 $0xFFFFF400  }
0x14d: {  	_ =	swait.ge [sflag:s29], $0xC00  }
0x14e: {  	p0 =	sne.s32 s1, $0xC40;
	[sflag:s29] =	ssyncset.done $0x0  }
.Ltmp0:
0x14f: {  	[sflag:s29] =	ssyncadd.s32 $0xFFFFF400;
	(pc) =	sbr.rel @p0 .LBB2_2-.Ltmp0, $4  }
0x150: {  	[hbm4b:s31+s2] =	stream.linear.scatter [tilespmem:s9], [sflag:$0x2], $0xC000, $0x38;
	[tilespmem:$0xCA00] =	vst v63  }
0x151: {  	v5 =	vmov v8;
	v8 =	vmov v11;
	_ =	swait.ge [sflag:s6], $0xC000  }
0x152: {  	v11 =	vmovc v14;
	v14 =	vmovc v17;
	v17 =	vmov v20;
	v20 =	vmov v23;
	v23 =	vmov v29;
	[sflag:s6] =	ssyncset.done $0x0  }
0x153: {  	s1 =	sadd.s32 $0x40, s1;
	v29 =	vmovc v35;
	v35 =	vmovc v41;
	v41 =	vmov v47;
	v47 =	vmov v53;
	v53 =	vmov v59;
	s31 =	sadd.s32 $0x1800, s31;
	[sflag:s6] =	ssyncadd.s32 $0xFFFF4000  }
0x154: {  	s1 =	rddreg [dreg:$0x14]  }
0x155: {  	s0 =	rddreg [dreg:$0x12];
	s1 =	sadd.s32 $0x1, s1  }
0x156: {  	p0 =	sne.s32 s1, s0  }
.Ltmp1:
0x157: {  	_ = 	snop;
	(pc) =	sbr.rel @p0 .LBB2_1-.Ltmp1, $1  }
0x158: {  	_ =	sdelay $0x3  }
0x159: {  	_ =	sfence.sel $0x180000  }
0x15a: {  	[bflag:$0x0] =	sbarrier.arrive $0xFFFF  }
0x15b: {  	_ =	strace $0x90000047  }
0x15c: {  	s0 =	stileid.u32;
	[bflag:$0x2] =	sbarrier.arrive $0xFFFF  }
0x15d: {  	p0 =	sne.s32 s0, $0x0;
	s0 =	rddreg [dreg:$0x2]  }
0x15e: {  	s0 =	sadd.s32 @!p0 $0x100000, s0  }
0x15f: {  	[sflag:s0] =	ssyncadd.tile.s32 @!p0 $0x1;
	_ =	shalt  }
.Lfunc_end2:
_tile_overlayer_lowered:
.L_overlay_start_2:
0x160: {  	(tag) =	ssettag $0x2  }
0x161: {  	s0 =	rddreg [dreg:$0x0];
	s2 =	stileid.u32  }
0x162: {  	s1 =	rddreg [dreg:$0x1];
	p0 =	sne.s32 s2, $0x0  }
0x163: {  	s3 =	rddreg [dreg:$0x2];
	[bflag:$0x3] =	sbarrier.arrive $0xFFFF;
	s2 =	simm.s32 @!p0 $0x1C02  }
0x164: {  	[timem:s3], [sflag:s2] =	dma.local @!p0 [hbm:s0], s1  }
0x165: {  	s0 =	simm.s32 @!p0 $0x2  }
0x166: {  	_ =	swait.ge @!p0 [sflag:s0], s1  }
0x167: {  	s1 =	ssub.s32 @!p0 $0x0, s1;
	[sflag:s0] =	ssyncset.done @!p0 $0x0  }
0x168: {  	[sflag:s0] =	ssyncadd.s32 @!p0 s1  }
0x169: {  	[bflag:$0x3] =	sbarrier.arrive $0xFFFF  }
0x16a: {  	_ =	shalt  }

// kernel: sparse-core-data-format-call.cloned.1.call-start
scs
called_computation_lowered:
.L_overlay_start_0:
0x0: {  	s2 =	sld [smem:$0x3FD9]  }
0x1: {  	s3 =	sld [smem:$0x3FFE];
	_ =	sdelay $0x1  }
0x2: {  	s1 =	srdreg.scid  }
0x3: {  	s0 =	sand.u32 $0x1, s1  }
0x4: {  	s18 =	sshll.u32 s0, $0xA;
	s2 =	sadd.s32 s3, s2  }
0x5: {  	s2 =	sadd.s32 s2, s18  }
0x6: {  	[smem:$0x3FC4] =	sst s2  }
0x7: {  	_ = 	snop  }
0x8: {  	s2 =	sld [smem:$0x3FD0];
	(tm) =	ssettm $0x1  }
0x9: {  	s19 =	sld [smem:$0x3FFB];
	_ =	sdelay $0x3  }
0xa: {  	_ =	strace s19  }
0xb: {  	s3 =	sld [smem:$0x3FFC];
	_ =	sdelay $0x3  }
0xc: {  	_ =	strace s3  }
0xd: {  	s3 =	sld [smem:$0x3FFD];
	_ =	sdelay $0x3  }
0xe: {  	_ =	strace s3  }
0xf: {  	_ =	strace $0x8FFFFFFF  }
0x10: {  	s20 =	sld [smem:$0x3FDB];
	_ =	sdelay $0x1  }
0x11: {  	s4 =	simm.s32 $_scs_section_size  }
0x12: {  	s5 =	simm.s32 $_size__tile_overlayer_lowered;
	s6 =	simm.s32 $_tile_overlayer_lowered  }
0x13: {  	s23 =	simm.s32 $0x1BFF;
	s22 =	sshll.u32 s6, $0x1;
	s3 =	sadd.s32 s4, s20  }
0x14: {  	s7 =	simm.s32 $0x0;
	s21 =	sshll.u32 s5, $0x1;
	s5 =	sadd.s32 s22, s3  }
0x15: {  	[timem:s7], [sflag:s23] =	dma.local [hbm:s5], s21  }
0x16: {  	_ =	swait.ge [sflag:s23], s21  }
0x17: {  	s4 =	ssub.s32 $0x0, s21;
	[sflag:s23] =	ssyncset.done $0x0  }
0x18: {  	[sflag:s23] =	ssyncadd.s32 s4;
	_ =	sdelay $0x1  }
0x19: {  	s24 =	simm.s32 $0x1B8B  }
0x1a: {  	_ =	swait.ge [sflag:s24], $0x1  }
0x1b: {  	[sflag:s24] =	ssyncset.done $0x0  }
0x1c: {  	s26 =	simm.s32 $0x1B8E;
	s25 =	sld [smem:$0x3FFE];
	[sflag:s24] =	ssyncadd.s32 $0xFFFFFFFF  }
0x1d: {  	s27 =	simm.s32 $execute0_lowered;
	[smem:$0x3FD2] =	sst s26  }
0x1e: {  	s5 =	sshll.u32 s27, $0x1;
	_ =	strace $0x80000049;
	[dreg:$0x1] =	wrdreg $0xFFFFFFFF  }
0x1f: {  	s28 =	simm.s32 $_size_execute0_lowered;
	s3 =	sadd.s32 s3, s5;
	[dreg:$0x0] =	wrdreg $0x0  }
0x20: {  	s5 =	sshll.u32 s28, $0x1;
	[dreg:$0x2] =	wrdreg s3  }
0x21: {  	[dreg:$0x3] =	wrdreg s5  }
0x22: {  	[dreg:$0x4] =	wrdreg $0xC0  }
0x23: {  	_ =	task [dreg:s7], $0x5FFFF  }
0x24: {  	[dreg:$0x1] =	wrdreg $0xFFFFFFFF  }
0x25: {  	[dreg:$0x0] =	wrdreg $0x60  }
0x26: {  	[dreg:$0x2] =	wrdreg s25  }
0x27: {  	[dreg:$0x3] =	wrdreg s2  }
0x28: {  	[dreg:$0x4] =	wrdreg $0x9  }
0x29: {  	_ =	task.clear_ibuf [dreg:s7], $0x5FFFF;
	_ =	strace $0x90000049  }
0x2a: {  	s29 =	simm.s32 $0x9;
	_ =	strace $0x8000004B  }
0x2b: {  	_ =	swait.ge [sflag:s29], $0x1  }
0x2c: {  	[sflag:s29] =	ssyncadd.s32 $0xFFFFFFFF  }
0x2d: {  	_ =	strace $0x9000004B  }
0x2e: {  	_ =	sfence  }
0x2f: {  	s30 =	sld [smem:$0x0];
	_ =	sdelay $0x2  }
0x30: {  	s31 =	sshll.u32 s1, $0xD;
	s1 =	sshrl.u32 s1, $0x2  }
0x31: {  	s3 =	sand.u32 $0x4000, s31;
	s1 =	sadd.s32 s1, s30  }
0x32: {  	s0 =	sor.u32 s3, s0;
	s1 =	sshll.u32 s1, $0x11  }
0x33: {  	s0 =	sor.u32 s1, s0  }
0x34: {  	s0 =	sadd.s32 $0x8F2B, s0  }
0x35: {  	[sflag:s0] =	ssyncadd.remote.s32 $0x1  }
0x36: {  	_ =	sfence.sel $0xFFFF  }
0x37: {  	[dreg:$0x0] =	wrdreg $0xFFFFFFFF;
	(pc) =	sbr.abs _section_cstart, $3  }
0x38: {  	[dreg:$0x1] =	wrdreg $0xFFFFFFFF  }
0x39: {  	_ =	task.clear_ibuf [dreg:s7], $0x2FFFF;
	_ =	strace $0x9FFFFFFF  }
0x3a: {  	(tm) =	ssettm $0x7FFFFFFF  }
0x3b: {  	_ =	shalt  }
tec
execute0_lowered:
.L_overlay_start_1:
0x0: {  	(tag) =	ssettag $0x1  }
0x1: {  	s0 =	srdreg.scid  }
0x2: {  	s1 =	sshll.u32 s0, $0x4  }
0x3: {  	s6 =	rddreg [dreg:$0x0];
	s0 =	stileid.u32;
	s1 =	sand.u32 $0x10, s1  }
0x4: {  	s3 =	rddreg [dreg:$0x1];
	s1 =	sor.u32 s0, s1  }
0x5: {  	s5 =	simm.s32 $0x1;
	s31 =	simm.s32 $0x2;
	s2 =	sshll.u32 s1, $0x7  }
0x6: {  	s15 =	simm.s32 $0x0;
	s8 =	simm.s32 $0x8000;
	s4 =	ssub.s32 $0x1000, s2  }
0x7: {  	s14 =	simm.s32 $0x0;
	s9 =	simm.s32 $0x0;
	s30 =	sand.u32 $0xF80, s4  }
0x8: {  	s10 =	simm.s32 $0x0;
	s11 =	simm.s32 $0x0;
	p0 =	sne.s32 s30, $0x0  }
.Ltmp0:
0x9: {  	s7 =	sshrl.u32 s4, $0xC;
	s5 =	simm.s32 @!p0 $0x0;
	(pc) =	sbr.rel .LBB1_1-.Ltmp0, $4  }
0xa: {  	s13 =	simm.s32 $0x0;
	s1 =	rddreg [dreg:$0x2];
	s5 =	sadd.s32 s5, s7  }
0xb: {  	_ =	strace $0x8000004A;
	s4 =	simm.s32 $0x1;
	s5 =	smul.u32 $0xC8, s5  }
0xc: {  	s6 =	sadd.s32 $0xC00, s6;
	s12 =	smov.u32 s2;
	[sflag:s4] =	ssyncpa.u1 $0x0  }
0xd: {  	[sflag:s31] =	ssyncpa.u1 $0x0;
	p0 =	por $0x0, $0x0;
	s7 =	sor.u32 $0x1, s5  }
.LBB1_4:
0xe: {  	s20 =	sshra.s32 s20, $0x2;
	s28 =	sshll.u32 s10, $0x3;
	p1 =	sgt.s32 s9, $0xC7  }
0xf: {  	s21 =	smov.u32 s9;
	s23 =	sshra.s32 s9, $0x1F;
	s24 =	smov.u32 s10  }
0x10: {  	v5 =	vld [tilespmem:s17+$0xFFFFFFD0];
	[tilespmem:s18+$0x2040 ss:$0x81] =	vst.msk $0xffff, v4;
	s25 =	sshra.s32 s10, $0x1F;
	s26 =	sand.u32 $0x78, s10;
	s19 =	sadd.s32 s20, s19  }
0x11: {  	v58 =	vld [tilespmem:s17+$0xFFFFFFE0];
	[tilespmem:s18+$0x2850 ss:$0x81] =	vst.msk $0xffff, v3;
	s22 =	sshrl.u32 s28, $0xC;
	s21 =	simm.s32 @!p1 $0xC7;
	s23 =	sand.u32 s23, s9  }
0x12: {  	v59 =	vld [tilespmem:s17+$0xFFFFFFF0];
	[tilespmem:s18+$0x3060 ss:$0x81] =	vst.msk $0xffff, v2;
	p1 =	sgt.s32 s10, $0xF80;
	s29 =	sand.u32 s25, s10;
	s20 =	sand.u32 $0xC00, s28  }
0x13: {  	v60 =	vld [tilespmem:s17+$0x0];
	[tilespmem:s18+$0x0 ss:$0x81] =	vst.msk $0xffff, v0;
	s28 =	smul.u32 $0xC000, s9;
	s21 =	ssub.s32 s21, s23;
	s24 =	simm.s32 @!p1 $0xF80  }
0x14: {  	v61 =	vld [tilespmem:s17+$0x10];
	s30 =	smulhi.u32 $0x2AAAAAB, s22;
	[tilespmem:s19+$0x3870 ss:$0x81] =	vst.msk $0xffff, v1;
	s20 =	sor.u32 s26, s20;
	s31 =	ssub.s32 $0xC8, s21  }
0x15: {  	v62 =	vld [tilespmem:s17+$0x20];
	s23 =	ssub.s32 s24, s29;
	s21 =	sadd.s32 $0xFFFFFF39, s21;
	s25 =	smul.u32 $0x60, s31;
	[tilespmem:s19+$0x810 ss:$0x81] =	vst.msk $0xffff, v5  }
0x16: {  	v63 =	vld [tilespmem:s17+$0xFFFFFFC0];
	s18 =	smul.u32 $0x60, s30;
	p1 =	sgt.s32 s21, $0x0;
	s27 =	sadd.s32 $0xFFFFF080, s23;
	[tilespmem:s19+$0x1020 ss:$0x81] =	vst.msk $0xffff, v58  }
0x17: {  	s17 =	ssub.s32 $0x1000, s23;
	[tilespmem:s19+$0x1830 ss:$0x81] =	vst.msk $0xffff, v59;
	s25 =	simm.s32 @p1 $0x0;
	p1 =	sgt.s32 s27, $0x7F  }
0x18: {  	s29 =	sand.u32 $0x7, s10;
	[tilespmem:s19+$0x2040 ss:$0x81] =	vst.msk $0xffff, v60;
	s18 =	ssub.s32 s22, s18;
	s17 =	simm.s32 @p1 $0x0  }
0x19: {  	s21 =	sadd.s32 s3, s28;
	[tilespmem:s19+$0x2850 ss:$0x81] =	vst.msk $0xffff, v61;
	s18 =	sshll.u32 s18, $0x9;
	s17 =	smul.u32 s17, s25  }
0x1a: {  	s20 =	sshrl.u32 s20, $0x3;
	s30 =	sshll.u32 s29, $0x12;
	[tilespmem:s19+$0x3060 ss:$0x81] =	vst.msk $0xffff, v62;
	s18 =	sadd.s32 s18, s21  }
0x1b: {  	[tilespmem:s19+$0x0 ss:$0x81] =	vst.msk $0xffff, v63;
	s31 =	sor.u32 $0x400, s30;
	s18 =	sadd.s32 s20, s18;
	s17 =	sand.u32 $0x3FFFFFE0, s17  }
0x1c: {  	[hbm4b:s18+s31] =	stream.strided.scatter [tilespmem:s16], [sflag:$0x2], s17, s8, s31, $0x20;
	[tilespmem:$0x10100] =	vst v63  }
.LBB1_5:
0x1d: {  	p1 =	slt.u32 s13, $0x2  }
0x1e: {  	s17 =	smov.u32 s15;
	p2 =	sgt.s32 @!p1 s15, $0xC7;
	s16 =	sshra.s32 @!p1 s15, $0x1F  }
0x1f: {  	p3 =	sgt.s32 @!p1 s14, $0xF80;
	s18 =	sshra.s32 @!p1 s14, $0x1F;
	p2 =	por !p2, p1  }
0x20: {  	s15 =	sand.u32 @!p1 s16, s15;
	p3 =	por !p3, p1;
	s16 =	smov.u32 s14  }
0x21: {  	s14 =	sand.u32 @!p1 s18, s14;
	s17 =	simm.s32 @p2 $0xC7;
	s16 =	simm.s32 @p3 $0xF80  }
0x22: {  	s18 =	smov.u32 s12;
	s15 =	ssub.s32 @!p1 s17, s15;
	s14 =	ssub.s32 @!p1 s16, s14  }
0x23: {  	s16 =	sadd.s32 @!p1 $0xFFFFFF39, s15;
	s15 =	ssub.s32 @!p1 $0xC8, s15;
	s17 =	sadd.s32 @!p1 $0xFFFFF080, s14  }
0x24: {  	p2 =	sgt.s32 @!p1 s16, $0x0;
	s15 =	smul.u32 @!p1 $0x60, s15;
	p3 =	sgt.s32 @!p1 s17, $0x7F  }
0x25: {  	s14 =	ssub.s32 @!p1 $0x1000, s14;
	p2 =	por !p2, p1;
	p3 =	por !p3, p1  }
0x26: {  	s16 =	sadd.s32 $0x1, s11;
	s15 =	simm.s32 @!p2 $0x0;
	s14 =	simm.s32 @!p3 $0x0  }
0x27: {  	p2 =	sgt.s32 s16, $0xC7;
	s14 =	smul.u32 @!p1 s14, s15;
	s15 =	sadd.s32 $0x1000, s12  }
0x28: {  	s18 =	smov.u32 @p2 s15  }
0x29: {  	s16 =	simm.s32 @p2 $0x0;
	p2 =	sgt.s32 s18, $0xFFF  }
0x2a: {  	s18 =	smov.u32 @p2 s2;
	p2 =	sne.s32 s13, s7  }
.Ltmp1:
0x2b: {  	p0 =	por !p0, !p0;
	s17 =	simm.s32 @!p1 $0x2;
	(pc) =	sbr.rel @!p2 .LBB1_6-.Ltmp1, $4  }
0x2c: {  	s15 =	smov.u32 s9;
	s9 =	smov.u32 s11;
	s14 =	sand.u32 @!p1 $0x3FFFFFE0, s14  }
0x2d: {  	s11 =	smov.u32 s16;
	_ =	swait.ge @!p1 [sflag:s17], s14;
	s19 =	ssub.s32 @!p1 $0x0, s14  }
0x2e: {  	s14 =	smov.u32 s10;
	s13 =	sadd.s32 $0x1, s13;
	[sflag:s17] =	ssyncset.done @!p1 $0x0  }
0x2f: {  	s10 =	smov.u32 s12;
	s12 =	smov.u32 s18;
	[sflag:s17] =	ssyncadd.s32 @!p1 s19  }
.LBB1_1:
0x30: {  	p1 =	sge.u32 s13, s5  }
0x31: {  	s16 =	sand.u32 @!p1 $0x1FFFFFF, s11  }
0x32: {  	s17 =	smulhi.u32 @!p1 $0x147AE15, s16;
	_ =	sdelay $0x1  }
0x33: {  	s17 =	smul.u32 @!p1 $0xC8, s17  }
0x34: {  	s18 =	sxor.u32 @!p1 $0xFFFFFFFF, s13;
	s19 =	smul.u32 @!p1 $0xC80, s12  }
0x35: {  	s31 =	sadd.s32 $0xFFFFFFFF, s13;
	s18 =	sshll.u32 @!p1 s18, $0xE;
	s16 =	ssub.s32 @!p1 s16, s17  }
0x36: {  	s17 =	sand.u32 @!p1 $0x4000, s18;
	s18 =	sadd.s32 @!p1 s6, s19;
	s16 =	sshll.u32 @!p1 s16, $0x4  }
0x37: {  	s19 =	simm.s32 @!p1 $0x6400;
	s16 =	sadd.s32 @!p1 s16, s18;
	s18 =	simm.s32 @!p1 $0x80  }
0x38: {  	[tilespmem:s17], [sflag:$0x1] =	stream.strided.gather @!p1 [hbm4b:s16+s18], $0x4000, s19, s18, $0x38;
	[tilespmem:$0x10100] =	vst v63  }
0x39: {  	p1 =	sge.u32 s31, s5  }
.Ltmp2:
0x3a: {  	_ = 	snop;
	(pc) =	sbr.rel @p1 .LBB1_5-.Ltmp2, $1  }
0x3b: {  	_ =	sdelay $0x3  }
0x3c: {  	s16 =	simm.s32 $0x1  }
0x3d: {  	_ =	swait.ge [sflag:s4], $0x4000;
	s16 =	simm.s32 @!p0 $0x0  }
0x3e: {  	[sflag:s4] =	ssyncset.done $0x0;
	s17 =	sshll.u32 s16, $0xE  }
0x3f: {  	[sflag:s4] =	ssyncadd.s32 $0xFFFFC000;
	s17 =	sor.u32 $0x40, s17  }
0x40: {  	s16 =	smul.u32 $0x10200, s16;
	v0 =	vld [tilespmem:s17+$0x30]  }
0x41: {  	v1 =	vld [tilespmem:s17+$0xFFFFFFD0]  }
0x42: {  	s16 =	sshrl.u32 s16, $0x2;
	v5 =	vld [tilespmem:s17+$0xFFFFFFE0]  }
0x43: {  	v6 =	vld [tilespmem:s17+$0xFFFFFFF0];
	s19 =	sor.u32 $0x8000, s16  }
0x44: {  	s31 =	sand.u32 $0x1, s13;
	v4 =	vld [tilespmem:s17+$0x0];
	s18 =	sadd.s32 $0x0, s19  }
0x45: {  	v3 =	vld [tilespmem:s17+$0x10];
	s16 =	smul.u32 $0x10200, s31;
	[tilespmem:s18+$0x3870 ss:$0x81] =	vst.msk $0xffff, v0  }
0x46: {  	v2 =	vld [tilespmem:s17+$0x20];
	[tilespmem:s18+$0x810 ss:$0x81] =	vst.msk $0xffff, v1  }
0x47: {  	s16 =	sshrl.u32 s16, $0x2;
	v0 =	vld [tilespmem:s17+$0xFFFFFFC0];
	[tilespmem:s18+$0x1020 ss:$0x81] =	vst.msk $0xffff, v5;
	s17 =	sadd.s32 $0x80, s17  }
0x48: {  	s20 =	simm.s32 $0x4;
	s21 =	simm.s32 $0x8;
	s16 =	sor.u32 $0x8000, s16;
	[tilespmem:s18+$0x1830 ss:$0x81] =	vst.msk $0xffff, v6;
	v1 =	vld [tilespmem:s17+$0x30]  }
.LBB1_3:
0x49: {  	p1 =	sne.s32 s21, $0x1FC;
	v5 =	vld [tilespmem:s17+$0xFFFFFFD0];
	[tilespmem:s18+$0x2040 ss:$0x81] =	vst.msk $0xffff, v4  }
0x4a: {  	v6 =	vld [tilespmem:s17+$0xFFFFFFE0];
	[tilespmem:s18+$0x2850 ss:$0x81] =	vst.msk $0xffff, v3  }
0x4b: {  	s22 =	sshra.s32 s20, $0x2;
	s20 =	smov.u32 s21;
	v7 =	vld [tilespmem:s17+$0xFFFFFFF0];
	[tilespmem:s18+$0x3060 ss:$0x81] =	vst.msk $0xffff, v2  }
.Ltmp3:
0x4c: {  	v4 =	vld [tilespmem:s17+$0x0];
	[tilespmem:s18+$0x0 ss:$0x81] =	vst.msk $0xffff, v0;
	s18 =	sadd.s32 s22, s19;
	(pc) =	sbr.rel @p1 .LBB1_3-.Ltmp3, $4  }
0x4d: {  	v3 =	vld [tilespmem:s17+$0x10];
	[tilespmem:s18+$0x3870 ss:$0x81] =	vst.msk $0xffff, v1  }
0x4e: {  	[tilespmem:s18+$0x810 ss:$0x81] =	vst.msk $0xffff, v5;
	v2 =	vld [tilespmem:s17+$0x20]  }
0x4f: {  	v0 =	vld [tilespmem:s17+$0xFFFFFFC0];
	[tilespmem:s18+$0x1020 ss:$0x81] =	vst.msk $0xffff, v6;
	s17 =	sadd.s32 $0x80, s17  }
0x50: {  	s21 =	sadd.s32 $0x4, s21;
	v1 =	vld [tilespmem:s17+$0x30];
	[tilespmem:s18+$0x1830 ss:$0x81] =	vst.msk $0xffff, v7  }
.Ltmp4:
0x51: {  	_ = 	snop;
	(pc) =	sbr.rel .LBB1_4-.Ltmp4, $1  }
0x52: {  	_ =	sdelay $0x3  }
.LBB1_6:
0x53: {  	_ =	sfence.sel $0x180000  }
0x54: {  	s2 =	simm.s32 $0x1;
	[bflag:$0x0] =	sbarrier.arrive $0xFFFF  }
0x55: {  	s31 =	simm.s32 $0x2;
	[sflag:s2] =	ssyncpa.u1 $0x1  }
0x56: {  	[sflag:s31] =	ssyncpa.u1 $0x1  }
0x57: {  	p0 =	sne.s32 s0, $0x0;
	_ =	strace $0x9000004A  }
0x58: {  	s0 =	sadd.s32 @!p0 $0x100000, s1;
	[bflag:$0x2] =	sbarrier.arrive $0xFFFF  }
0x59: {  	[sflag:s0] =	ssyncadd.tile.s32 @!p0 $0x1;
	_ =	shalt  }
.Lfunc_end1:
_tile_overlayer_lowered:
.L_overlay_start_2:
0x5a: {  	(tag) =	ssettag $0x2  }
0x5b: {  	s0 =	rddreg [dreg:$0x0];
	s2 =	stileid.u32  }
0x5c: {  	s1 =	rddreg [dreg:$0x1];
	p0 =	sne.s32 s2, $0x0  }
0x5d: {  	s3 =	rddreg [dreg:$0x2];
	[bflag:$0x3] =	sbarrier.arrive $0xFFFF;
	s2 =	simm.s32 @!p0 $0x1C01  }
0x5e: {  	[timem:s3], [sflag:s2] =	dma.local @!p0 [hbm:s0], s1  }
0x5f: {  	s0 =	simm.s32 @!p0 $0x1  }
0x60: {  	_ =	swait.ge @!p0 [sflag:s0], s1  }
0x61: {  	s1 =	ssub.s32 @!p0 $0x0, s1;
	[sflag:s0] =	ssyncset.done @!p0 $0x0  }
0x62: {  	[sflag:s0] =	ssyncadd.s32 @!p0 s1  }
0x63: {  	[bflag:$0x3] =	sbarrier.arrive $0xFFFF  }
0x64: {  	_ =	shalt  }

</sc_bundles>
